<compile_context>
chip_gen: v7x
topology: tpu7x:2x2x1
jax: 0.10.2.dev20260603
libtpu: 0.0.44.dev20260713+nightly
codegen_flags: <defaults>
</compile_context>

<pallas_src>
import functools

import jax
import jax.numpy as jnp
from jax import lax
from jax.experimental import pallas as pl
from jax.experimental.pallas import tpu as pltpu
from jax.experimental.pallas import tpu_sc as plsc

N = 10000
E = 320000
D = 128
H = 128

NC = 2
NS = 16
EPW = E // (NC * NS)
K = 40
CHUNKS = EPW // K
RPS = N // NS
DW = 8

W_INFLIGHT = 16


def _deg_body(ei_hbm, ones_hbm, zeros_hbm, out_hbm, didx_all, ones_v, acc, ssem):
    c = lax.axis_index("c")
    s = lax.axis_index("s")
    w = c * NS + s
    pltpu.sync_copy(zeros_hbm, acc.at[pl.ds(s * RPS, RPS)])
    pltpu.sync_copy(ei_hbm.at[1, w], didx_all)
    pltpu.sync_copy(ones_hbm, ones_v)
    plsc.subcore_barrier()

    for j in range(W_INFLIGHT):
        pltpu.async_copy(ones_v, acc.at[didx_all.at[j]], ssem, add=True)

    def chunk(j, carry):
        pltpu.make_async_copy(ones_v, acc.at[didx_all.at[0]], ssem).wait()
        pltpu.async_copy(ones_v, acc.at[didx_all.at[j + W_INFLIGHT]], ssem,
                         add=True)
        return carry

    lax.fori_loop(0, CHUNKS - W_INFLIGHT, chunk, 0)
    for _ in range(W_INFLIGHT):
        pltpu.make_async_copy(ones_v, acc.at[didx_all.at[0]], ssem).wait()
    plsc.subcore_barrier()
    pltpu.sync_copy(acc.at[pl.ds(s * RPS, RPS)], out_hbm.at[c, s])


NB = 5
G = CHUNKS // NB


def _edge_body(g_hbm, ei_hbm, zeros_hbm, out_hbm,
               sidx_all, didx_all, rows, acc, gsem):
    c = lax.axis_index("c")
    s = lax.axis_index("s")
    w = c * NS + s
    pltpu.sync_copy(zeros_hbm, acc.at[pl.ds(s * RPS, RPS)])
    pltpu.sync_copy(ei_hbm.at[0, w], sidx_all)
    pltpu.sync_copy(ei_hbm.at[1, w], didx_all)
    plsc.subcore_barrier()

    for b in range(NB):
        pltpu.async_copy(g_hbm.at[sidx_all.at[b]], rows.at[b], gsem.at[b])

    def group(gi, carry):
        for b in range(NB):
            j = gi * NB + b
            pltpu.make_async_copy(g_hbm.at[sidx_all.at[0]], rows.at[b],
                                  gsem.at[b]).wait()
            pltpu.sync_copy(rows.at[b], acc.at[didx_all.at[j]], add=True)
            pltpu.async_copy(g_hbm.at[sidx_all.at[j + NB]], rows.at[b],
                             gsem.at[b])
        return carry

    lax.fori_loop(0, G - 1, group, 0)
    for b in range(NB):
        j = (G - 1) * NB + b
        pltpu.make_async_copy(g_hbm.at[sidx_all.at[0]], rows.at[b],
                              gsem.at[b]).wait()
        pltpu.sync_copy(rows.at[b], acc.at[didx_all.at[j]], add=True)
    plsc.subcore_barrier()
    pltpu.sync_copy(acc.at[pl.ds(s * RPS, RPS)], out_hbm.at[c, s])


@functools.cache
def _sc_kernels():
    mesh = plsc.VectorSubcoreMesh(
        core_axis_name="c", subcore_axis_name="s",
        num_cores=NC, num_subcores=NS,
    )
    params = pltpu.CompilerParams(use_tc_tiling_on_sc=False)
    deg_kernel = pl.kernel(
        _deg_body,
        out_type=jax.ShapeDtypeStruct((NC, NS, RPS, DW), jnp.float32),
        mesh=mesh,
        compiler_params=params,
        scratch_types=[
            pltpu.VMEM((CHUNKS, K), jnp.int32),
            pltpu.VMEM((K, DW), jnp.float32),
            pltpu.VMEM_SHARED((N, DW), jnp.float32),
            pltpu.SemaphoreType.DMA,
        ],
    )
    edge_kernel = pl.kernel(
        _edge_body,
        out_type=jax.ShapeDtypeStruct((NC, NS, RPS, D), jnp.float32),
        mesh=mesh,
        compiler_params=params,
        scratch_types=[
            pltpu.VMEM((CHUNKS, K), jnp.int32),
            pltpu.VMEM((CHUNKS, K), jnp.int32),
            pltpu.VMEM((NB, K, D), jnp.float32),
            pltpu.VMEM_SHARED((N, D), jnp.float32),
            pltpu.SemaphoreType.DMA((NB,)),
        ],
    )
    return deg_kernel, edge_kernel


BLK = 5000


def _scale_body(z_ref, wg_ref, degp_ref, g_ref):
    deg = degp_ref[0, :, 0] + degp_ref[1, :, 0]
    dinv = lax.rsqrt(jnp.maximum(deg, 1.0))
    h = jnp.dot(z_ref[...], wg_ref[...], preferred_element_type=jnp.float32,
                precision=lax.Precision.DEFAULT)
    g_ref[...] = h * dinv[:, None]


def _tc_scale(z, wg, degp):
    return pl.pallas_call(
        _scale_body,
        grid=(N // BLK,),
        in_specs=[
            pl.BlockSpec((BLK, D), lambda i: (i, 0)),
            pl.BlockSpec((D, D), lambda i: (0, 0)),
            pl.BlockSpec((NC, BLK, DW), lambda i: (0, i, 0)),
        ],
        out_specs=pl.BlockSpec((BLK, D), lambda i: (i, 0)),
        out_shape=jax.ShapeDtypeStruct((N, D), jnp.float32),
    )(z, wg, degp)


def _mlp_body(p_ref, degp_ref, bg_ref, w1_ref, b1_ref, w2_ref, b2_ref,
              w3_ref, b3_ref, o_ref):
    deg = degp_ref[0, :, 0] + degp_ref[1, :, 0]
    dinv = lax.rsqrt(jnp.maximum(deg, 1.0))
    agg = (p_ref[0] + p_ref[1]) * dinv[:, None]
    a = jnp.maximum(agg + bg_ref[0][None, :], 0.0)
    h1 = jnp.tanh(jnp.dot(a, w1_ref[...], preferred_element_type=jnp.float32,
                          precision=lax.Precision.DEFAULT)
                  + b1_ref[0][None, :])
    h2 = jnp.tanh(jnp.dot(h1, w2_ref[...], preferred_element_type=jnp.float32,
                           precision=lax.Precision.DEFAULT)
                  + b2_ref[0][None, :])
    o_ref[...] = (jnp.dot(h2, w3_ref[...], preferred_element_type=jnp.float32,
                           precision=lax.Precision.DEFAULT)
                  + b3_ref[0][None, :])


def _tc_mlp(parts, degp, bg, w1, b1, w2, b2, w3, b3):
    mat = lambda: pl.BlockSpec((D, H), lambda i: (0, 0))
    vec = lambda: pl.BlockSpec((1, H), lambda i: (0, 0))
    return pl.pallas_call(
        _mlp_body,
        grid=(N // BLK,),
        in_specs=[
            pl.BlockSpec((NC, BLK, D), lambda i: (0, i, 0)),
            pl.BlockSpec((NC, BLK, DW), lambda i: (0, i, 0)),
            vec(), mat(), vec(), mat(), vec(), mat(), vec(),
        ],
        out_specs=pl.BlockSpec((BLK, D), lambda i: (i, 0)),
        out_shape=jax.ShapeDtypeStruct((N, D), jnp.float32),
    )(parts, degp, bg.reshape(1, D), w1, b1.reshape(1, H), w2,
      b2.reshape(1, H), w3, b3.reshape(1, D))


def kernel(t, z, edge_index, Wg, bg, W1, b1, W2, b2, W3, b3):
    ei4 = edge_index.reshape(2, NC * NS, CHUNKS, K)
    ones16 = jnp.ones((K, DW), jnp.float32)
    zeros16 = jnp.zeros((RPS, DW), jnp.float32)
    zerosD = jnp.zeros((RPS, D), jnp.float32)

    deg_kernel, edge_kernel = _sc_kernels()
    degp = deg_kernel(ei4, ones16, zeros16).reshape(NC, N, DW)
    g = _tc_scale(z, Wg, degp)
    parts = edge_kernel(g, ei4, zerosD).reshape(NC, N, D)
    return _tc_mlp(parts, degp, bg, W1, b1, W2, b2, W3, b3)

# --- scband reference (transcript-rebuilt; emitter-appended) ---
"""Pipeline reference for scband-gdefunc-60773787238485 (READ-ONLY COPY).

The authoritative reference and input builder live on the scoring server;
editing this copy changes nothing except your own understanding.
"""

import jax, jax.numpy as jnp
import numpy as np

N = 10000
E = 320000
D = 128
H = 128


def setup_inputs(seed: int = 0) -> dict:
    key = jax.random.key(seed)
    ks = jax.random.split(key, 12)
    t = jnp.zeros((), dtype=jnp.float32)
    z = jax.random.normal(ks[0], (N, D), dtype=jnp.float32)
    edge_index = jax.random.randint(ks[1], (2, E), 0, N, dtype=jnp.int32)
    # GCN weight (latent_dim -> latent_dim)
    Wg = jax.random.normal(ks[2], (D, D), dtype=jnp.float32) / np.sqrt(D)
    bg = jnp.zeros((D,), dtype=jnp.float32)
    # MLP: Linear(D->H), Tanh, Linear(H->H), Tanh, Linear(H->D)
    W1 = jax.random.normal(ks[3], (D, H), dtype=jnp.float32) / np.sqrt(D)
    b1 = jnp.zeros((H,), dtype=jnp.float32)
    W2 = jax.random.normal(ks[4], (H, H), dtype=jnp.float32) / np.sqrt(H)
    b2 = jnp.zeros((H,), dtype=jnp.float32)
    W3 = jax.random.normal(ks[5], (H, D), dtype=jnp.float32) / np.sqrt(H)
    b3 = jnp.zeros((D,), dtype=jnp.float32)
    return {"t": t, "z": z, "edge_index": edge_index,
            "Wg": Wg, "bg": bg, "W1": W1, "b1": b1,
            "W2": W2, "b2": b2, "W3": W3, "b3": b3}


def _gcn(z, edge_index, Wg, bg):
    src = edge_index[0]
    dst = edge_index[1]
    ones = jnp.ones((E,), dtype=jnp.float32)
    deg = jax.ops.segment_sum(ones, dst, num_segments=N)
    deg = jnp.maximum(deg, 1.0)
    norm = jax.lax.rsqrt(deg[src] * deg[dst])
    h = z @ Wg
    msg = h[src] * norm[:, None]          # gather (SparseCore)
    agg = jax.ops.segment_sum(msg, dst, num_segments=N)  # scatter-add
    return jax.nn.relu(agg + bg)


def reference(t, z, edge_index, Wg, bg, W1, b1, W2, b2, W3, b3):
    # t is ignored (autonomous ODE), matching GDEFunc.forward
    out = _gcn(z, edge_index, Wg, bg)
    h1 = jnp.tanh(out @ W1 + b1)
    h2 = jnp.tanh(h1 @ W2 + b2)
    dzdt = h2 @ W3 + b3
    return dzdt

if __name__ == "__main__":
    import jax
    _d = setup_inputs()
    print(jax.jit(kernel)(*tuple(_d.values())))

</pallas_src>

<mosaic_0001>
#map = affine_map<(d0, d1) -> (0, 0, 0, 0)>
#map1 = affine_map<(d0, d1) -> (0, 0)>
module attributes {stable_mosaic.version = 14 : i64} {
  func.func @_deg_body(%arg0: i32, %arg1: i32, %arg2: memref<2x32x250x40xi32, #tpu.memory_space<hbm>>, %arg3: memref<40x8xf32, #tpu.memory_space<hbm>>, %arg4: memref<625x8xf32, #tpu.memory_space<hbm>>, %arg5: memref<2x16x625x8xf32, #tpu.memory_space<hbm>>, %arg6: memref<250x40xi32, #tpu.memory_space<vmem>>, %arg7: memref<40x8xf32, #tpu.memory_space<vmem>>, %arg8: memref<10000x8xf32, #tpu.memory_space<vmem_shared>>, %arg9: memref<!tpu.dma_semaphore, #tpu.memory_space<semaphore_mem>>) attributes {dimension_semantics = [#tpu.dimension_semantics<core_parallel>, #tpu.dimension_semantics<subcore_parallel>], iteration_bounds = array<i64: 2, 16>, scalar_prefetch = 0 : i64, scratch_operands = 4 : i64, tpu.core_type = #tpu.core_type<sc_vector_subcore>, window_params = [{transform_indices = #map}, {transform_indices = #map1}, {transform_indices = #map1}, {transform_indices = #map}]} {
    %mul3A = arith.constant 16 : i32
    %mul3A_0 = arith.muli %arg0, %mul3A : i32
    %add3A = arith.addi %mul3A_0, %arg1 : i32
    %mul3A_1 = arith.constant 625 : i32
    %mul3A_2 = arith.muli %arg1, %mul3A_1 : i32
    "tpu.region"() ({
      %run_scoped3A_233 = tpu.sem_alloc : memref<!tpu.dma_semaphore, #tpu.memory_space<semaphore_mem>>
      %dma_start3A_234 = arith.constant 0 : i32
      %dma_start3A_235 = tpu.memref_slice %arg8[%mul3A_2, %dma_start3A_234] : memref<10000x8xf32, #tpu.memory_space<vmem_shared>> -> memref<625x8xf32, #tpu.memory_space<vmem_shared>>
      tpu.enqueue_dma source(%arg4 : memref<625x8xf32, #tpu.memory_space<hbm>>) target(%dma_start3A_235 : memref<625x8xf32, #tpu.memory_space<vmem_shared>>) target_semaphore(%run_scoped3A_233 : memref<!tpu.dma_semaphore, #tpu.memory_space<semaphore_mem>>)
      %dma_wait3A_236 = arith.constant 0 : i32
      %dma_wait3A_237 = tpu.memref_slice %arg8[%mul3A_2, %dma_wait3A_236] : memref<10000x8xf32, #tpu.memory_space<vmem_shared>> -> memref<625x8xf32, #tpu.memory_space<vmem_shared>>
      tpu.wait_dma2 semaphore(%run_scoped3A_233 : memref<!tpu.dma_semaphore, #tpu.memory_space<semaphore_mem>>) src(%arg4 : memref<625x8xf32, #tpu.memory_space<hbm>>) dst(%dma_wait3A_237 : memref<625x8xf32, #tpu.memory_space<vmem_shared>>)
      tpu.yield
    }) : () -> ()
    %run_scoped3A = arith.constant 1 : i32
    "tpu.region"() ({
      %run_scoped3A_233 = tpu.sem_alloc : memref<!tpu.dma_semaphore, #tpu.memory_space<semaphore_mem>>
      %dma_start3A_234 = arith.constant 0 : i32
      %dma_start3A_235 = arith.constant 0 : i32
      %dma_start3A_236 = tpu.memref_slice %arg2[%run_scoped3A, %add3A, %dma_start3A_234, %dma_start3A_235] : memref<2x32x250x40xi32, #tpu.memory_space<hbm>> -> memref<1x1x250x40xi32, #tpu.memory_space<hbm>>
      %dma_start3A_237 = tpu.memref_squeeze %dma_start3A_236 : memref<1x1x250x40xi32, #tpu.memory_space<hbm>> -> memref<250x40xi32, #tpu.memory_space<hbm>>
      %dma_start3A_238 = arith.constant 0 : i32
      %dma_start3A_239 = arith.constant 0 : i32
      %dma_start3A_240 = tpu.memref_slice %arg2[%run_scoped3A, %add3A, %dma_start3A_238, %dma_start3A_239] : memref<2x32x250x40xi32, #tpu.memory_space<hbm>> -> memref<1x1x250x40xi32, #tpu.memory_space<hbm>>
      %dma_start3A_241 = tpu.memref_squeeze %dma_start3A_240 : memref<1x1x250x40xi32, #tpu.memory_space<hbm>> -> memref<250x40xi32, #tpu.memory_space<hbm>>
      tpu.enqueue_dma source(%dma_start3A_241 : memref<250x40xi32, #tpu.memory_space<hbm>>) target(%arg6 : memref<250x40xi32, #tpu.memory_space<vmem>>) target_semaphore(%run_scoped3A_233 : memref<!tpu.dma_semaphore, #tpu.memory_space<semaphore_mem>>)
      %dma_wait3A_242 = arith.constant 0 : i32
      %dma_wait3A_243 = arith.constant 0 : i32
      %dma_wait3A_244 = tpu.memref_slice %arg2[%run_scoped3A, %add3A, %dma_wait3A_242, %dma_wait3A_243] : memref<2x32x250x40xi32, #tpu.memory_space<hbm>> -> memref<1x1x250x40xi32, #tpu.memory_space<hbm>>
      %dma_wait3A_245 = tpu.memref_squeeze %dma_wait3A_244 : memref<1x1x250x40xi32, #tpu.memory_space<hbm>> -> memref<250x40xi32, #tpu.memory_space<hbm>>
      %dma_wait3A_246 = arith.constant 0 : i32
      %dma_wait3A_247 = arith.constant 0 : i32
      %dma_wait3A_248 = tpu.memref_slice %arg2[%run_scoped3A, %add3A, %dma_wait3A_246, %dma_wait3A_247] : memref<2x32x250x40xi32, #tpu.memory_space<hbm>> -> memref<1x1x250x40xi32, #tpu.memory_space<hbm>>
      %dma_wait3A_249 = tpu.memref_squeeze %dma_wait3A_248 : memref<1x1x250x40xi32, #tpu.memory_space<hbm>> -> memref<250x40xi32, #tpu.memory_space<hbm>>
      tpu.wait_dma2 semaphore(%run_scoped3A_233 : memref<!tpu.dma_semaphore, #tpu.memory_space<semaphore_mem>>) src(%dma_wait3A_249 : memref<250x40xi32, #tpu.memory_space<hbm>>) dst(%arg6 : memref<250x40xi32, #tpu.memory_space<vmem>>)
      tpu.yield
    }) : () -> ()
    "tpu.region"() ({
      %run_scoped3A_233 = tpu.sem_alloc : memref<!tpu.dma_semaphore, #tpu.memory_space<semaphore_mem>>
      tpu.enqueue_dma source(%arg3 : memref<40x8xf32, #tpu.memory_space<hbm>>) target(%arg7 : memref<40x8xf32, #tpu.memory_space<vmem>>) target_semaphore(%run_scoped3A_233 : memref<!tpu.dma_semaphore, #tpu.memory_space<semaphore_mem>>)
      tpu.wait_dma2 semaphore(%run_scoped3A_233 : memref<!tpu.dma_semaphore, #tpu.memory_space<semaphore_mem>>) src(%arg3 : memref<40x8xf32, #tpu.memory_space<hbm>>) dst(%arg7 : memref<40x8xf32, #tpu.memory_space<vmem>>)
      tpu.yield
    }) : () -> ()
    %barrier3A = arith.constant 0 : index
    tpu.barrier barrier_id(%barrier3A)
    %dma_start3A = arith.constant 0 : i32
    %dma_start3A_3 = arith.constant 0 : i32
    %dma_start3A_4 = tpu.memref_slice %arg6[%dma_start3A, %dma_start3A_3] : memref<250x40xi32, #tpu.memory_space<vmem>> -> memref<1x40xi32, #tpu.memory_space<vmem>>
    %dma_start3A_5 = tpu.memref_squeeze %dma_start3A_4 : memref<1x40xi32, #tpu.memory_space<vmem>> -> memref<40xi32, #tpu.memory_space<vmem>>
    %dma_start3A_6 = arith.constant 0 : i32
    %dma_start3A_7 = arith.constant 0 : i32
    %dma_start3A_8 = tpu.memref_slice %arg8[%dma_start3A_6, %dma_start3A_7] : memref<10000x8xf32, #tpu.memory_space<vmem_shared>> -> memref<10000x8xf32, #tpu.memory_space<vmem_shared>>
    tpu.enqueue_indirect_dma source(%arg7 : memref<40x8xf32, #tpu.memory_space<vmem>>) target(%dma_start3A_8 : memref<10000x8xf32, #tpu.memory_space<vmem_shared>>) offsets(%dma_start3A_5 : memref<40xi32, #tpu.memory_space<vmem>>) semaphore(%arg9 : memref<!tpu.dma_semaphore, #tpu.memory_space<semaphore_mem>>) {add = true}
    %dma_start3A_9 = arith.constant 1 : i32
    %dma_start3A_10 = arith.constant 0 : i32
    %dma_start3A_11 = tpu.memref_slice %arg6[%dma_start3A_9, %dma_start3A_10] : memref<250x40xi32, #tpu.memory_space<vmem>> -> memref<1x40xi32, #tpu.memory_space<vmem>>
    %dma_start3A_12 = tpu.memref_squeeze %dma_start3A_11 : memref<1x40xi32, #tpu.memory_space<vmem>> -> memref<40xi32, #tpu.memory_space<vmem>>
    %dma_start3A_13 = arith.constant 0 : i32
    %dma_start3A_14 = arith.constant 0 : i32
    %dma_start3A_15 = tpu.memref_slice %arg8[%dma_start3A_13, %dma_start3A_14] : memref<10000x8xf32, #tpu.memory_space<vmem_shared>> -> memref<10000x8xf32, #tpu.memory_space<vmem_shared>>
    tpu.enqueue_indirect_dma source(%arg7 : memref<40x8xf32, #tpu.memory_space<vmem>>) target(%dma_start3A_15 : memref<10000x8xf32, #tpu.memory_space<vmem_shared>>) offsets(%dma_start3A_12 : memref<40xi32, #tpu.memory_space<vmem>>) semaphore(%arg9 : memref<!tpu.dma_semaphore, #tpu.memory_space<semaphore_mem>>) {add = true}
    %dma_start3A_16 = arith.constant 2 : i32
    %dma_start3A_17 = arith.constant 0 : i32
    %dma_start3A_18 = tpu.memref_slice %arg6[%dma_start3A_16, %dma_start3A_17] : memref<250x40xi32, #tpu.memory_space<vmem>> -> memref<1x40xi32, #tpu.memory_space<vmem>>
    %dma_start3A_19 = tpu.memref_squeeze %dma_start3A_18 : memref<1x40xi32, #tpu.memory_space<vmem>> -> memref<40xi32, #tpu.memory_space<vmem>>
    %dma_start3A_20 = arith.constant 0 : i32
    %dma_start3A_21 = arith.constant 0 : i32
    %dma_start3A_22 = tpu.memref_slice %arg8[%dma_start3A_20, %dma_start3A_21] : memref<10000x8xf32, #tpu.memory_space<vmem_shared>> -> memref<10000x8xf32, #tpu.memory_space<vmem_shared>>
    tpu.enqueue_indirect_dma source(%arg7 : memref<40x8xf32, #tpu.memory_space<vmem>>) target(%dma_start3A_22 : memref<10000x8xf32, #tpu.memory_space<vmem_shared>>) offsets(%dma_start3A_19 : memref<40xi32, #tpu.memory_space<vmem>>) semaphore(%arg9 : memref<!tpu.dma_semaphore, #tpu.memory_space<semaphore_mem>>) {add = true}
    %dma_start3A_23 = arith.constant 3 : i32
    %dma_start3A_24 = arith.constant 0 : i32
    %dma_start3A_25 = tpu.memref_slice %arg6[%dma_start3A_23, %dma_start3A_24] : memref<250x40xi32, #tpu.memory_space<vmem>> -> memref<1x40xi32, #tpu.memory_space<vmem>>
    %dma_start3A_26 = tpu.memref_squeeze %dma_start3A_25 : memref<1x40xi32, #tpu.memory_space<vmem>> -> memref<40xi32, #tpu.memory_space<vmem>>
    %dma_start3A_27 = arith.constant 0 : i32
    %dma_start3A_28 = arith.constant 0 : i32
    %dma_start3A_29 = tpu.memref_slice %arg8[%dma_start3A_27, %dma_start3A_28] : memref<10000x8xf32, #tpu.memory_space<vmem_shared>> -> memref<10000x8xf32, #tpu.memory_space<vmem_shared>>
    tpu.enqueue_indirect_dma source(%arg7 : memref<40x8xf32, #tpu.memory_space<vmem>>) target(%dma_start3A_29 : memref<10000x8xf32, #tpu.memory_space<vmem_shared>>) offsets(%dma_start3A_26 : memref<40xi32, #tpu.memory_space<vmem>>) semaphore(%arg9 : memref<!tpu.dma_semaphore, #tpu.memory_space<semaphore_mem>>) {add = true}
    %dma_start3A_30 = arith.constant 4 : i32
    %dma_start3A_31 = arith.constant 0 : i32
    %dma_start3A_32 = tpu.memref_slice %arg6[%dma_start3A_30, %dma_start3A_31] : memref<250x40xi32, #tpu.memory_space<vmem>> -> memref<1x40xi32, #tpu.memory_space<vmem>>
    %dma_start3A_33 = tpu.memref_squeeze %dma_start3A_32 : memref<1x40xi32, #tpu.memory_space<vmem>> -> memref<40xi32, #tpu.memory_space<vmem>>
    %dma_start3A_34 = arith.constant 0 : i32
    %dma_start3A_35 = arith.constant 0 : i32
    %dma_start3A_36 = tpu.memref_slice %arg8[%dma_start3A_34, %dma_start3A_35] : memref<10000x8xf32, #tpu.memory_space<vmem_shared>> -> memref<10000x8xf32, #tpu.memory_space<vmem_shared>>
    tpu.enqueue_indirect_dma source(%arg7 : memref<40x8xf32, #tpu.memory_space<vmem>>) target(%dma_start3A_36 : memref<10000x8xf32, #tpu.memory_space<vmem_shared>>) offsets(%dma_start3A_33 : memref<40xi32, #tpu.memory_space<vmem>>) semaphore(%arg9 : memref<!tpu.dma_semaphore, #tpu.memory_space<semaphore_mem>>) {add = true}
    %dma_start3A_37 = arith.constant 5 : i32
    %dma_start3A_38 = arith.constant 0 : i32
    %dma_start3A_39 = tpu.memref_slice %arg6[%dma_start3A_37, %dma_start3A_38] : memref<250x40xi32, #tpu.memory_space<vmem>> -> memref<1x40xi32, #tpu.memory_space<vmem>>
    %dma_start3A_40 = tpu.memref_squeeze %dma_start3A_39 : memref<1x40xi32, #tpu.memory_space<vmem>> -> memref<40xi32, #tpu.memory_space<vmem>>
    %dma_start3A_41 = arith.constant 0 : i32
    %dma_start3A_42 = arith.constant 0 : i32
    %dma_start3A_43 = tpu.memref_slice %arg8[%dma_start3A_41, %dma_start3A_42] : memref<10000x8xf32, #tpu.memory_space<vmem_shared>> -> memref<10000x8xf32, #tpu.memory_space<vmem_shared>>
    tpu.enqueue_indirect_dma source(%arg7 : memref<40x8xf32, #tpu.memory_space<vmem>>) target(%dma_start3A_43 : memref<10000x8xf32, #tpu.memory_space<vmem_shared>>) offsets(%dma_start3A_40 : memref<40xi32, #tpu.memory_space<vmem>>) semaphore(%arg9 : memref<!tpu.dma_semaphore, #tpu.memory_space<semaphore_mem>>) {add = true}
    %dma_start3A_44 = arith.constant 6 : i32
    %dma_start3A_45 = arith.constant 0 : i32
    %dma_start3A_46 = tpu.memref_slice %arg6[%dma_start3A_44, %dma_start3A_45] : memref<250x40xi32, #tpu.memory_space<vmem>> -> memref<1x40xi32, #tpu.memory_space<vmem>>
    %dma_start3A_47 = tpu.memref_squeeze %dma_start3A_46 : memref<1x40xi32, #tpu.memory_space<vmem>> -> memref<40xi32, #tpu.memory_space<vmem>>
    %dma_start3A_48 = arith.constant 0 : i32
    %dma_start3A_49 = arith.constant 0 : i32
    %dma_start3A_50 = tpu.memref_slice %arg8[%dma_start3A_48, %dma_start3A_49] : memref<10000x8xf32, #tpu.memory_space<vmem_shared>> -> memref<10000x8xf32, #tpu.memory_space<vmem_shared>>
    tpu.enqueue_indirect_dma source(%arg7 : memref<40x8xf32, #tpu.memory_space<vmem>>) target(%dma_start3A_50 : memref<10000x8xf32, #tpu.memory_space<vmem_shared>>) offsets(%dma_start3A_47 : memref<40xi32, #tpu.memory_space<vmem>>) semaphore(%arg9 : memref<!tpu.dma_semaphore, #tpu.memory_space<semaphore_mem>>) {add = true}
    %dma_start3A_51 = arith.constant 7 : i32
    %dma_start3A_52 = arith.constant 0 : i32
    %dma_start3A_53 = tpu.memref_slice %arg6[%dma_start3A_51, %dma_start3A_52] : memref<250x40xi32, #tpu.memory_space<vmem>> -> memref<1x40xi32, #tpu.memory_space<vmem>>
    %dma_start3A_54 = tpu.memref_squeeze %dma_start3A_53 : memref<1x40xi32, #tpu.memory_space<vmem>> -> memref<40xi32, #tpu.memory_space<vmem>>
    %dma_start3A_55 = arith.constant 0 : i32
    %dma_start3A_56 = arith.constant 0 : i32
    %dma_start3A_57 = tpu.memref_slice %arg8[%dma_start3A_55, %dma_start3A_56] : memref<10000x8xf32, #tpu.memory_space<vmem_shared>> -> memref<10000x8xf32, #tpu.memory_space<vmem_shared>>
    tpu.enqueue_indirect_dma source(%arg7 : memref<40x8xf32, #tpu.memory_space<vmem>>) target(%dma_start3A_57 : memref<10000x8xf32, #tpu.memory_space<vmem_shared>>) offsets(%dma_start3A_54 : memref<40xi32, #tpu.memory_space<vmem>>) semaphore(%arg9 : memref<!tpu.dma_semaphore, #tpu.memory_space<semaphore_mem>>) {add = true}
    %dma_start3A_58 = arith.constant 8 : i32
    %dma_start3A_59 = arith.constant 0 : i32
    %dma_start3A_60 = tpu.memref_slice %arg6[%dma_start3A_58, %dma_start3A_59] : memref<250x40xi32, #tpu.memory_space<vmem>> -> memref<1x40xi32, #tpu.memory_space<vmem>>
    %dma_start3A_61 = tpu.memref_squeeze %dma_start3A_60 : memref<1x40xi32, #tpu.memory_space<vmem>> -> memref<40xi32, #tpu.memory_space<vmem>>
    %dma_start3A_62 = arith.constant 0 : i32
    %dma_start3A_63 = arith.constant 0 : i32
    %dma_start3A_64 = tpu.memref_slice %arg8[%dma_start3A_62, %dma_start3A_63] : memref<10000x8xf32, #tpu.memory_space<vmem_shared>> -> memref<10000x8xf32, #tpu.memory_space<vmem_shared>>
    tpu.enqueue_indirect_dma source(%arg7 : memref<40x8xf32, #tpu.memory_space<vmem>>) target(%dma_start3A_64 : memref<10000x8xf32, #tpu.memory_space<vmem_shared>>) offsets(%dma_start3A_61 : memref<40xi32, #tpu.memory_space<vmem>>) semaphore(%arg9 : memref<!tpu.dma_semaphore, #tpu.memory_space<semaphore_mem>>) {add = true}
    %dma_start3A_65 = arith.constant 9 : i32
    %dma_start3A_66 = arith.constant 0 : i32
    %dma_start3A_67 = tpu.memref_slice %arg6[%dma_start3A_65, %dma_start3A_66] : memref<250x40xi32, #tpu.memory_space<vmem>> -> memref<1x40xi32, #tpu.memory_space<vmem>>
    %dma_start3A_68 = tpu.memref_squeeze %dma_start3A_67 : memref<1x40xi32, #tpu.memory_space<vmem>> -> memref<40xi32, #tpu.memory_space<vmem>>
    %dma_start3A_69 = arith.constant 0 : i32
    %dma_start3A_70 = arith.constant 0 : i32
    %dma_start3A_71 = tpu.memref_slice %arg8[%dma_start3A_69, %dma_start3A_70] : memref<10000x8xf32, #tpu.memory_space<vmem_shared>> -> memref<10000x8xf32, #tpu.memory_space<vmem_shared>>
    tpu.enqueue_indirect_dma source(%arg7 : memref<40x8xf32, #tpu.memory_space<vmem>>) target(%dma_start3A_71 : memref<10000x8xf32, #tpu.memory_space<vmem_shared>>) offsets(%dma_start3A_68 : memref<40xi32, #tpu.memory_space<vmem>>) semaphore(%arg9 : memref<!tpu.dma_semaphore, #tpu.memory_space<semaphore_mem>>) {add = true}
    %dma_start3A_72 = arith.constant 10 : i32
    %dma_start3A_73 = arith.constant 0 : i32
    %dma_start3A_74 = tpu.memref_slice %arg6[%dma_start3A_72, %dma_start3A_73] : memref<250x40xi32, #tpu.memory_space<vmem>> -> memref<1x40xi32, #tpu.memory_space<vmem>>
    %dma_start3A_75 = tpu.memref_squeeze %dma_start3A_74 : memref<1x40xi32, #tpu.memory_space<vmem>> -> memref<40xi32, #tpu.memory_space<vmem>>
    %dma_start3A_76 = arith.constant 0 : i32
    %dma_start3A_77 = arith.constant 0 : i32
    %dma_start3A_78 = tpu.memref_slice %arg8[%dma_start3A_76, %dma_start3A_77] : memref<10000x8xf32, #tpu.memory_space<vmem_shared>> -> memref<10000x8xf32, #tpu.memory_space<vmem_shared>>
    tpu.enqueue_indirect_dma source(%arg7 : memref<40x8xf32, #tpu.memory_space<vmem>>) target(%dma_start3A_78 : memref<10000x8xf32, #tpu.memory_space<vmem_shared>>) offsets(%dma_start3A_75 : memref<40xi32, #tpu.memory_space<vmem>>) semaphore(%arg9 : memref<!tpu.dma_semaphore, #tpu.memory_space<semaphore_mem>>) {add = true}
    %dma_start3A_79 = arith.constant 11 : i32
    %dma_start3A_80 = arith.constant 0 : i32
    %dma_start3A_81 = tpu.memref_slice %arg6[%dma_start3A_79, %dma_start3A_80] : memref<250x40xi32, #tpu.memory_space<vmem>> -> memref<1x40xi32, #tpu.memory_space<vmem>>
    %dma_start3A_82 = tpu.memref_squeeze %dma_start3A_81 : memref<1x40xi32, #tpu.memory_space<vmem>> -> memref<40xi32, #tpu.memory_space<vmem>>
    %dma_start3A_83 = arith.constant 0 : i32
    %dma_start3A_84 = arith.constant 0 : i32
    %dma_start3A_85 = tpu.memref_slice %arg8[%dma_start3A_83, %dma_start3A_84] : memref<10000x8xf32, #tpu.memory_space<vmem_shared>> -> memref<10000x8xf32, #tpu.memory_space<vmem_shared>>
    tpu.enqueue_indirect_dma source(%arg7 : memref<40x8xf32, #tpu.memory_space<vmem>>) target(%dma_start3A_85 : memref<10000x8xf32, #tpu.memory_space<vmem_shared>>) offsets(%dma_start3A_82 : memref<40xi32, #tpu.memory_space<vmem>>) semaphore(%arg9 : memref<!tpu.dma_semaphore, #tpu.memory_space<semaphore_mem>>) {add = true}
    %dma_start3A_86 = arith.constant 12 : i32
    %dma_start3A_87 = arith.constant 0 : i32
    %dma_start3A_88 = tpu.memref_slice %arg6[%dma_start3A_86, %dma_start3A_87] : memref<250x40xi32, #tpu.memory_space<vmem>> -> memref<1x40xi32, #tpu.memory_space<vmem>>
    %dma_start3A_89 = tpu.memref_squeeze %dma_start3A_88 : memref<1x40xi32, #tpu.memory_space<vmem>> -> memref<40xi32, #tpu.memory_space<vmem>>
    %dma_start3A_90 = arith.constant 0 : i32
    %dma_start3A_91 = arith.constant 0 : i32
    %dma_start3A_92 = tpu.memref_slice %arg8[%dma_start3A_90, %dma_start3A_91] : memref<10000x8xf32, #tpu.memory_space<vmem_shared>> -> memref<10000x8xf32, #tpu.memory_space<vmem_shared>>
    tpu.enqueue_indirect_dma source(%arg7 : memref<40x8xf32, #tpu.memory_space<vmem>>) target(%dma_start3A_92 : memref<10000x8xf32, #tpu.memory_space<vmem_shared>>) offsets(%dma_start3A_89 : memref<40xi32, #tpu.memory_space<vmem>>) semaphore(%arg9 : memref<!tpu.dma_semaphore, #tpu.memory_space<semaphore_mem>>) {add = true}
    %dma_start3A_93 = arith.constant 13 : i32
    %dma_start3A_94 = arith.constant 0 : i32
    %dma_start3A_95 = tpu.memref_slice %arg6[%dma_start3A_93, %dma_start3A_94] : memref<250x40xi32, #tpu.memory_space<vmem>> -> memref<1x40xi32, #tpu.memory_space<vmem>>
    %dma_start3A_96 = tpu.memref_squeeze %dma_start3A_95 : memref<1x40xi32, #tpu.memory_space<vmem>> -> memref<40xi32, #tpu.memory_space<vmem>>
    %dma_start3A_97 = arith.constant 0 : i32
    %dma_start3A_98 = arith.constant 0 : i32
    %dma_start3A_99 = tpu.memref_slice %arg8[%dma_start3A_97, %dma_start3A_98] : memref<10000x8xf32, #tpu.memory_space<vmem_shared>> -> memref<10000x8xf32, #tpu.memory_space<vmem_shared>>
    tpu.enqueue_indirect_dma source(%arg7 : memref<40x8xf32, #tpu.memory_space<vmem>>) target(%dma_start3A_99 : memref<10000x8xf32, #tpu.memory_space<vmem_shared>>) offsets(%dma_start3A_96 : memref<40xi32, #tpu.memory_space<vmem>>) semaphore(%arg9 : memref<!tpu.dma_semaphore, #tpu.memory_space<semaphore_mem>>) {add = true}
    %dma_start3A_100 = arith.constant 14 : i32
    %dma_start3A_101 = arith.constant 0 : i32
    %dma_start3A_102 = tpu.memref_slice %arg6[%dma_start3A_100, %dma_start3A_101] : memref<250x40xi32, #tpu.memory_space<vmem>> -> memref<1x40xi32, #tpu.memory_space<vmem>>
    %dma_start3A_103 = tpu.memref_squeeze %dma_start3A_102 : memref<1x40xi32, #tpu.memory_space<vmem>> -> memref<40xi32, #tpu.memory_space<vmem>>
    %dma_start3A_104 = arith.constant 0 : i32
    %dma_start3A_105 = arith.constant 0 : i32
    %dma_start3A_106 = tpu.memref_slice %arg8[%dma_start3A_104, %dma_start3A_105] : memref<10000x8xf32, #tpu.memory_space<vmem_shared>> -> memref<10000x8xf32, #tpu.memory_space<vmem_shared>>
    tpu.enqueue_indirect_dma source(%arg7 : memref<40x8xf32, #tpu.memory_space<vmem>>) target(%dma_start3A_106 : memref<10000x8xf32, #tpu.memory_space<vmem_shared>>) offsets(%dma_start3A_103 : memref<40xi32, #tpu.memory_space<vmem>>) semaphore(%arg9 : memref<!tpu.dma_semaphore, #tpu.memory_space<semaphore_mem>>) {add = true}
    %dma_start3A_107 = arith.constant 15 : i32
    %dma_start3A_108 = arith.constant 0 : i32
    %dma_start3A_109 = tpu.memref_slice %arg6[%dma_start3A_107, %dma_start3A_108] : memref<250x40xi32, #tpu.memory_space<vmem>> -> memref<1x40xi32, #tpu.memory_space<vmem>>
    %dma_start3A_110 = tpu.memref_squeeze %dma_start3A_109 : memref<1x40xi32, #tpu.memory_space<vmem>> -> memref<40xi32, #tpu.memory_space<vmem>>
    %dma_start3A_111 = arith.constant 0 : i32
    %dma_start3A_112 = arith.constant 0 : i32
    %dma_start3A_113 = tpu.memref_slice %arg8[%dma_start3A_111, %dma_start3A_112] : memref<10000x8xf32, #tpu.memory_space<vmem_shared>> -> memref<10000x8xf32, #tpu.memory_space<vmem_shared>>
    tpu.enqueue_indirect_dma source(%arg7 : memref<40x8xf32, #tpu.memory_space<vmem>>) target(%dma_start3A_113 : memref<10000x8xf32, #tpu.memory_space<vmem_shared>>) offsets(%dma_start3A_110 : memref<40xi32, #tpu.memory_space<vmem>>) semaphore(%arg9 : memref<!tpu.dma_semaphore, #tpu.memory_space<semaphore_mem>>) {add = true}
    %scan3A = arith.constant 0 : i32
    %scan3A_114 = arith.constant 0 : i32
    %scan3A_115 = arith.constant 234 : i32
    %scan3A_116 = arith.addi %scan3A_114, %scan3A_115 : i32
    %scan3A_117 = arith.constant 1 : i32
    scf.for %scan3A_233 = %scan3A_114 to %scan3A_116 step %scan3A_117  : i32 {
      %dma_wait3A_234 = arith.constant 0 : i32
      %dma_wait3A_235 = arith.constant 0 : i32
      %dma_wait3A_236 = tpu.memref_slice %arg6[%dma_wait3A_234, %dma_wait3A_235] : memref<250x40xi32, #tpu.memory_space<vmem>> -> memref<1x40xi32, #tpu.memory_space<vmem>>
      %dma_wait3A_237 = tpu.memref_squeeze %dma_wait3A_236 : memref<1x40xi32, #tpu.memory_space<vmem>> -> memref<40xi32, #tpu.memory_space<vmem>>
      %dma_wait3A_238 = arith.constant 0 : i32
      %dma_wait3A_239 = arith.constant 0 : i32
      %dma_wait3A_240 = tpu.memref_slice %arg8[%dma_wait3A_238, %dma_wait3A_239] : memref<10000x8xf32, #tpu.memory_space<vmem_shared>> -> memref<10000x8xf32, #tpu.memory_space<vmem_shared>>
      tpu.wait_indirect_dma semaphore(%arg9 : memref<!tpu.dma_semaphore, #tpu.memory_space<semaphore_mem>>) src(%arg7 : memref<40x8xf32, #tpu.memory_space<vmem>>) dst(%dma_wait3A_240 : memref<10000x8xf32, #tpu.memory_space<vmem_shared>>)
      %add3A_241 = arith.constant 16 : i32
      %add3A_242 = arith.addi %scan3A_233, %add3A_241 : i32
      %dma_start3A_243 = arith.constant 0 : i32
      %dma_start3A_244 = tpu.memref_slice %arg6[%add3A_242, %dma_start3A_243] : memref<250x40xi32, #tpu.memory_space<vmem>> -> memref<1x40xi32, #tpu.memory_space<vmem>>
      %dma_start3A_245 = tpu.memref_squeeze %dma_start3A_244 : memref<1x40xi32, #tpu.memory_space<vmem>> -> memref<40xi32, #tpu.memory_space<vmem>>
      %dma_start3A_246 = arith.constant 0 : i32
      %dma_start3A_247 = arith.constant 0 : i32
      %dma_start3A_248 = tpu.memref_slice %arg8[%dma_start3A_246, %dma_start3A_247] : memref<10000x8xf32, #tpu.memory_space<vmem_shared>> -> memref<10000x8xf32, #tpu.memory_space<vmem_shared>>
      tpu.enqueue_indirect_dma source(%arg7 : memref<40x8xf32, #tpu.memory_space<vmem>>) target(%dma_start3A_248 : memref<10000x8xf32, #tpu.memory_space<vmem_shared>>) offsets(%dma_start3A_245 : memref<40xi32, #tpu.memory_space<vmem>>) semaphore(%arg9 : memref<!tpu.dma_semaphore, #tpu.memory_space<semaphore_mem>>) {add = true}
    }
    %scan3A_118 = arith.constant 234 : i32
    %dma_wait3A = arith.constant 0 : i32
    %dma_wait3A_119 = arith.constant 0 : i32
    %dma_wait3A_120 = tpu.memref_slice %arg6[%dma_wait3A, %dma_wait3A_119] : memref<250x40xi32, #tpu.memory_space<vmem>> -> memref<1x40xi32, #tpu.memory_space<vmem>>
    %dma_wait3A_121 = tpu.memref_squeeze %dma_wait3A_120 : memref<1x40xi32, #tpu.memory_space<vmem>> -> memref<40xi32, #tpu.memory_space<vmem>>
    %dma_wait3A_122 = arith.constant 0 : i32
    %dma_wait3A_123 = arith.constant 0 : i32
    %dma_wait3A_124 = tpu.memref_slice %arg8[%dma_wait3A_122, %dma_wait3A_123] : memref<10000x8xf32, #tpu.memory_space<vmem_shared>> -> memref<10000x8xf32, #tpu.memory_space<vmem_shared>>
    tpu.wait_indirect_dma semaphore(%arg9 : memref<!tpu.dma_semaphore, #tpu.memory_space<semaphore_mem>>) src(%arg7 : memref<40x8xf32, #tpu.memory_space<vmem>>) dst(%dma_wait3A_124 : memref<10000x8xf32, #tpu.memory_space<vmem_shared>>)
    %dma_wait3A_125 = arith.constant 0 : i32
    %dma_wait3A_126 = arith.constant 0 : i32
    %dma_wait3A_127 = tpu.memref_slice %arg6[%dma_wait3A_125, %dma_wait3A_126] : memref<250x40xi32, #tpu.memory_space<vmem>> -> memref<1x40xi32, #tpu.memory_space<vmem>>
    %dma_wait3A_128 = tpu.memref_squeeze %dma_wait3A_127 : memref<1x40xi32, #tpu.memory_space<vmem>> -> memref<40xi32, #tpu.memory_space<vmem>>
    %dma_wait3A_129 = arith.constant 0 : i32
    %dma_wait3A_130 = arith.constant 0 : i32
    %dma_wait3A_131 = tpu.memref_slice %arg8[%dma_wait3A_129, %dma_wait3A_130] : memref<10000x8xf32, #tpu.memory_space<vmem_shared>> -> memref<10000x8xf32, #tpu.memory_space<vmem_shared>>
    tpu.wait_indirect_dma semaphore(%arg9 : memref<!tpu.dma_semaphore, #tpu.memory_space<semaphore_mem>>) src(%arg7 : memref<40x8xf32, #tpu.memory_space<vmem>>) dst(%dma_wait3A_131 : memref<10000x8xf32, #tpu.memory_space<vmem_shared>>)
    %dma_wait3A_132 = arith.constant 0 : i32
    %dma_wait3A_133 = arith.constant 0 : i32
    %dma_wait3A_134 = tpu.memref_slice %arg6[%dma_wait3A_132, %dma_wait3A_133] : memref<250x40xi32, #tpu.memory_space<vmem>> -> memref<1x40xi32, #tpu.memory_space<vmem>>
    %dma_wait3A_135 = tpu.memref_squeeze %dma_wait3A_134 : memref<1x40xi32, #tpu.memory_space<vmem>> -> memref<40xi32, #tpu.memory_space<vmem>>
    %dma_wait3A_136 = arith.constant 0 : i32
    %dma_wait3A_137 = arith.constant 0 : i32
    %dma_wait3A_138 = tpu.memref_slice %arg8[%dma_wait3A_136, %dma_wait3A_137] : memref<10000x8xf32, #tpu.memory_space<vmem_shared>> -> memref<10000x8xf32, #tpu.memory_space<vmem_shared>>
    tpu.wait_indirect_dma semaphore(%arg9 : memref<!tpu.dma_semaphore, #tpu.memory_space<semaphore_mem>>) src(%arg7 : memref<40x8xf32, #tpu.memory_space<vmem>>) dst(%dma_wait3A_138 : memref<10000x8xf32, #tpu.memory_space<vmem_shared>>)
    %dma_wait3A_139 = arith.constant 0 : i32
    %dma_wait3A_140 = arith.constant 0 : i32
    %dma_wait3A_141 = tpu.memref_slice %arg6[%dma_wait3A_139, %dma_wait3A_140] : memref<250x40xi32, #tpu.memory_space<vmem>> -> memref<1x40xi32, #tpu.memory_space<vmem>>
    %dma_wait3A_142 = tpu.memref_squeeze %dma_wait3A_141 : memref<1x40xi32, #tpu.memory_space<vmem>> -> memref<40xi32, #tpu.memory_space<vmem>>
    %dma_wait3A_143 = arith.constant 0 : i32
    %dma_wait3A_144 = arith.constant 0 : i32
    %dma_wait3A_145 = tpu.memref_slice %arg8[%dma_wait3A_143, %dma_wait3A_144] : memref<10000x8xf32, #tpu.memory_space<vmem_shared>> -> memref<10000x8xf32, #tpu.memory_space<vmem_shared>>
    tpu.wait_indirect_dma semaphore(%arg9 : memref<!tpu.dma_semaphore, #tpu.memory_space<semaphore_mem>>) src(%arg7 : memref<40x8xf32, #tpu.memory_space<vmem>>) dst(%dma_wait3A_145 : memref<10000x8xf32, #tpu.memory_space<vmem_shared>>)
    %dma_wait3A_146 = arith.constant 0 : i32
    %dma_wait3A_147 = arith.constant 0 : i32
    %dma_wait3A_148 = tpu.memref_slice %arg6[%dma_wait3A_146, %dma_wait3A_147] : memref<250x40xi32, #tpu.memory_space<vmem>> -> memref<1x40xi32, #tpu.memory_space<vmem>>
    %dma_wait3A_149 = tpu.memref_squeeze %dma_wait3A_148 : memref<1x40xi32, #tpu.memory_space<vmem>> -> memref<40xi32, #tpu.memory_space<vmem>>
    %dma_wait3A_150 = arith.constant 0 : i32
    %dma_wait3A_151 = arith.constant 0 : i32
    %dma_wait3A_152 = tpu.memref_slice %arg8[%dma_wait3A_150, %dma_wait3A_151] : memref<10000x8xf32, #tpu.memory_space<vmem_shared>> -> memref<10000x8xf32, #tpu.memory_space<vmem_shared>>
    tpu.wait_indirect_dma semaphore(%arg9 : memref<!tpu.dma_semaphore, #tpu.memory_space<semaphore_mem>>) src(%arg7 : memref<40x8xf32, #tpu.memory_space<vmem>>) dst(%dma_wait3A_152 : memref<10000x8xf32, #tpu.memory_space<vmem_shared>>)
    %dma_wait3A_153 = arith.constant 0 : i32
    %dma_wait3A_154 = arith.constant 0 : i32
    %dma_wait3A_155 = tpu.memref_slice %arg6[%dma_wait3A_153, %dma_wait3A_154] : memref<250x40xi32, #tpu.memory_space<vmem>> -> memref<1x40xi32, #tpu.memory_space<vmem>>
    %dma_wait3A_156 = tpu.memref_squeeze %dma_wait3A_155 : memref<1x40xi32, #tpu.memory_space<vmem>> -> memref<40xi32, #tpu.memory_space<vmem>>
    %dma_wait3A_157 = arith.constant 0 : i32
    %dma_wait3A_158 = arith.constant 0 : i32
    %dma_wait3A_159 = tpu.memref_slice %arg8[%dma_wait3A_157, %dma_wait3A_158] : memref<10000x8xf32, #tpu.memory_space<vmem_shared>> -> memref<10000x8xf32, #tpu.memory_space<vmem_shared>>
    tpu.wait_indirect_dma semaphore(%arg9 : memref<!tpu.dma_semaphore, #tpu.memory_space<semaphore_mem>>) src(%arg7 : memref<40x8xf32, #tpu.memory_space<vmem>>) dst(%dma_wait3A_159 : memref<10000x8xf32, #tpu.memory_space<vmem_shared>>)
    %dma_wait3A_160 = arith.constant 0 : i32
    %dma_wait3A_161 = arith.constant 0 : i32
    %dma_wait3A_162 = tpu.memref_slice %arg6[%dma_wait3A_160, %dma_wait3A_161] : memref<250x40xi32, #tpu.memory_space<vmem>> -> memref<1x40xi32, #tpu.memory_space<vmem>>
    %dma_wait3A_163 = tpu.memref_squeeze %dma_wait3A_162 : memref<1x40xi32, #tpu.memory_space<vmem>> -> memref<40xi32, #tpu.memory_space<vmem>>
    %dma_wait3A_164 = arith.constant 0 : i32
    %dma_wait3A_165 = arith.constant 0 : i32
    %dma_wait3A_166 = tpu.memref_slice %arg8[%dma_wait3A_164, %dma_wait3A_165] : memref<10000x8xf32, #tpu.memory_space<vmem_shared>> -> memref<10000x8xf32, #tpu.memory_space<vmem_shared>>
    tpu.wait_indirect_dma semaphore(%arg9 : memref<!tpu.dma_semaphore, #tpu.memory_space<semaphore_mem>>) src(%arg7 : memref<40x8xf32, #tpu.memory_space<vmem>>) dst(%dma_wait3A_166 : memref<10000x8xf32, #tpu.memory_space<vmem_shared>>)
    %dma_wait3A_167 = arith.constant 0 : i32
    %dma_wait3A_168 = arith.constant 0 : i32
    %dma_wait3A_169 = tpu.memref_slice %arg6[%dma_wait3A_167, %dma_wait3A_168] : memref<250x40xi32, #tpu.memory_space<vmem>> -> memref<1x40xi32, #tpu.memory_space<vmem>>
    %dma_wait3A_170 = tpu.memref_squeeze %dma_wait3A_169 : memref<1x40xi32, #tpu.memory_space<vmem>> -> memref<40xi32, #tpu.memory_space<vmem>>
    %dma_wait3A_171 = arith.constant 0 : i32
    %dma_wait3A_172 = arith.constant 0 : i32
    %dma_wait3A_173 = tpu.memref_slice %arg8[%dma_wait3A_171, %dma_wait3A_172] : memref<10000x8xf32, #tpu.memory_space<vmem_shared>> -> memref<10000x8xf32, #tpu.memory_space<vmem_shared>>
    tpu.wait_indirect_dma semaphore(%arg9 : memref<!tpu.dma_semaphore, #tpu.memory_space<semaphore_mem>>) src(%arg7 : memref<40x8xf32, #tpu.memory_space<vmem>>) dst(%dma_wait3A_173 : memref<10000x8xf32, #tpu.memory_space<vmem_shared>>)
    %dma_wait3A_174 = arith.constant 0 : i32
    %dma_wait3A_175 = arith.constant 0 : i32
    %dma_wait3A_176 = tpu.memref_slice %arg6[%dma_wait3A_174, %dma_wait3A_175] : memref<250x40xi32, #tpu.memory_space<vmem>> -> memref<1x40xi32, #tpu.memory_space<vmem>>
    %dma_wait3A_177 = tpu.memref_squeeze %dma_wait3A_176 : memref<1x40xi32, #tpu.memory_space<vmem>> -> memref<40xi32, #tpu.memory_space<vmem>>
    %dma_wait3A_178 = arith.constant 0 : i32
    %dma_wait3A_179 = arith.constant 0 : i32
    %dma_wait3A_180 = tpu.memref_slice %arg8[%dma_wait3A_178, %dma_wait3A_179] : memref<10000x8xf32, #tpu.memory_space<vmem_shared>> -> memref<10000x8xf32, #tpu.memory_space<vmem_shared>>
    tpu.wait_indirect_dma semaphore(%arg9 : memref<!tpu.dma_semaphore, #tpu.memory_space<semaphore_mem>>) src(%arg7 : memref<40x8xf32, #tpu.memory_space<vmem>>) dst(%dma_wait3A_180 : memref<10000x8xf32, #tpu.memory_space<vmem_shared>>)
    %dma_wait3A_181 = arith.constant 0 : i32
    %dma_wait3A_182 = arith.constant 0 : i32
    %dma_wait3A_183 = tpu.memref_slice %arg6[%dma_wait3A_181, %dma_wait3A_182] : memref<250x40xi32, #tpu.memory_space<vmem>> -> memref<1x40xi32, #tpu.memory_space<vmem>>
    %dma_wait3A_184 = tpu.memref_squeeze %dma_wait3A_183 : memref<1x40xi32, #tpu.memory_space<vmem>> -> memref<40xi32, #tpu.memory_space<vmem>>
    %dma_wait3A_185 = arith.constant 0 : i32
    %dma_wait3A_186 = arith.constant 0 : i32
    %dma_wait3A_187 = tpu.memref_slice %arg8[%dma_wait3A_185, %dma_wait3A_186] : memref<10000x8xf32, #tpu.memory_space<vmem_shared>> -> memref<10000x8xf32, #tpu.memory_space<vmem_shared>>
    tpu.wait_indirect_dma semaphore(%arg9 : memref<!tpu.dma_semaphore, #tpu.memory_space<semaphore_mem>>) src(%arg7 : memref<40x8xf32, #tpu.memory_space<vmem>>) dst(%dma_wait3A_187 : memref<10000x8xf32, #tpu.memory_space<vmem_shared>>)
    %dma_wait3A_188 = arith.constant 0 : i32
    %dma_wait3A_189 = arith.constant 0 : i32
    %dma_wait3A_190 = tpu.memref_slice %arg6[%dma_wait3A_188, %dma_wait3A_189] : memref<250x40xi32, #tpu.memory_space<vmem>> -> memref<1x40xi32, #tpu.memory_space<vmem>>
    %dma_wait3A_191 = tpu.memref_squeeze %dma_wait3A_190 : memref<1x40xi32, #tpu.memory_space<vmem>> -> memref<40xi32, #tpu.memory_space<vmem>>
    %dma_wait3A_192 = arith.constant 0 : i32
    %dma_wait3A_193 = arith.constant 0 : i32
    %dma_wait3A_194 = tpu.memref_slice %arg8[%dma_wait3A_192, %dma_wait3A_193] : memref<10000x8xf32, #tpu.memory_space<vmem_shared>> -> memref<10000x8xf32, #tpu.memory_space<vmem_shared>>
    tpu.wait_indirect_dma semaphore(%arg9 : memref<!tpu.dma_semaphore, #tpu.memory_space<semaphore_mem>>) src(%arg7 : memref<40x8xf32, #tpu.memory_space<vmem>>) dst(%dma_wait3A_194 : memref<10000x8xf32, #tpu.memory_space<vmem_shared>>)
    %dma_wait3A_195 = arith.constant 0 : i32
    %dma_wait3A_196 = arith.constant 0 : i32
    %dma_wait3A_197 = tpu.memref_slice %arg6[%dma_wait3A_195, %dma_wait3A_196] : memref<250x40xi32, #tpu.memory_space<vmem>> -> memref<1x40xi32, #tpu.memory_space<vmem>>
    %dma_wait3A_198 = tpu.memref_squeeze %dma_wait3A_197 : memref<1x40xi32, #tpu.memory_space<vmem>> -> memref<40xi32, #tpu.memory_space<vmem>>
    %dma_wait3A_199 = arith.constant 0 : i32
    %dma_wait3A_200 = arith.constant 0 : i32
    %dma_wait3A_201 = tpu.memref_slice %arg8[%dma_wait3A_199, %dma_wait3A_200] : memref<10000x8xf32, #tpu.memory_space<vmem_shared>> -> memref<10000x8xf32, #tpu.memory_space<vmem_shared>>
    tpu.wait_indirect_dma semaphore(%arg9 : memref<!tpu.dma_semaphore, #tpu.memory_space<semaphore_mem>>) src(%arg7 : memref<40x8xf32, #tpu.memory_space<vmem>>) dst(%dma_wait3A_201 : memref<10000x8xf32, #tpu.memory_space<vmem_shared>>)
    %dma_wait3A_202 = arith.constant 0 : i32
    %dma_wait3A_203 = arith.constant 0 : i32
    %dma_wait3A_204 = tpu.memref_slice %arg6[%dma_wait3A_202, %dma_wait3A_203] : memref<250x40xi32, #tpu.memory_space<vmem>> -> memref<1x40xi32, #tpu.memory_space<vmem>>
    %dma_wait3A_205 = tpu.memref_squeeze %dma_wait3A_204 : memref<1x40xi32, #tpu.memory_space<vmem>> -> memref<40xi32, #tpu.memory_space<vmem>>
    %dma_wait3A_206 = arith.constant 0 : i32
    %dma_wait3A_207 = arith.constant 0 : i32
    %dma_wait3A_208 = tpu.memref_slice %arg8[%dma_wait3A_206, %dma_wait3A_207] : memref<10000x8xf32, #tpu.memory_space<vmem_shared>> -> memref<10000x8xf32, #tpu.memory_space<vmem_shared>>
    tpu.wait_indirect_dma semaphore(%arg9 : memref<!tpu.dma_semaphore, #tpu.memory_space<semaphore_mem>>) src(%arg7 : memref<40x8xf32, #tpu.memory_space<vmem>>) dst(%dma_wait3A_208 : memref<10000x8xf32, #tpu.memory_space<vmem_shared>>)
    %dma_wait3A_209 = arith.constant 0 : i32
    %dma_wait3A_210 = arith.constant 0 : i32
    %dma_wait3A_211 = tpu.memref_slice %arg6[%dma_wait3A_209, %dma_wait3A_210] : memref<250x40xi32, #tpu.memory_space<vmem>> -> memref<1x40xi32, #tpu.memory_space<vmem>>
    %dma_wait3A_212 = tpu.memref_squeeze %dma_wait3A_211 : memref<1x40xi32, #tpu.memory_space<vmem>> -> memref<40xi32, #tpu.memory_space<vmem>>
    %dma_wait3A_213 = arith.constant 0 : i32
    %dma_wait3A_214 = arith.constant 0 : i32
    %dma_wait3A_215 = tpu.memref_slice %arg8[%dma_wait3A_213, %dma_wait3A_214] : memref<10000x8xf32, #tpu.memory_space<vmem_shared>> -> memref<10000x8xf32, #tpu.memory_space<vmem_shared>>
    tpu.wait_indirect_dma semaphore(%arg9 : memref<!tpu.dma_semaphore, #tpu.memory_space<semaphore_mem>>) src(%arg7 : memref<40x8xf32, #tpu.memory_space<vmem>>) dst(%dma_wait3A_215 : memref<10000x8xf32, #tpu.memory_space<vmem_shared>>)
    %dma_wait3A_216 = arith.constant 0 : i32
    %dma_wait3A_217 = arith.constant 0 : i32
    %dma_wait3A_218 = tpu.memref_slice %arg6[%dma_wait3A_216, %dma_wait3A_217] : memref<250x40xi32, #tpu.memory_space<vmem>> -> memref<1x40xi32, #tpu.memory_space<vmem>>
    %dma_wait3A_219 = tpu.memref_squeeze %dma_wait3A_218 : memref<1x40xi32, #tpu.memory_space<vmem>> -> memref<40xi32, #tpu.memory_space<vmem>>
    %dma_wait3A_220 = arith.constant 0 : i32
    %dma_wait3A_221 = arith.constant 0 : i32
    %dma_wait3A_222 = tpu.memref_slice %arg8[%dma_wait3A_220, %dma_wait3A_221] : memref<10000x8xf32, #tpu.memory_space<vmem_shared>> -> memref<10000x8xf32, #tpu.memory_space<vmem_shared>>
    tpu.wait_indirect_dma semaphore(%arg9 : memref<!tpu.dma_semaphore, #tpu.memory_space<semaphore_mem>>) src(%arg7 : memref<40x8xf32, #tpu.memory_space<vmem>>) dst(%dma_wait3A_222 : memref<10000x8xf32, #tpu.memory_space<vmem_shared>>)
    %dma_wait3A_223 = arith.constant 0 : i32
    %dma_wait3A_224 = arith.constant 0 : i32
    %dma_wait3A_225 = tpu.memref_slice %arg6[%dma_wait3A_223, %dma_wait3A_224] : memref<250x40xi32, #tpu.memory_space<vmem>> -> memref<1x40xi32, #tpu.memory_space<vmem>>
    %dma_wait3A_226 = tpu.memref_squeeze %dma_wait3A_225 : memref<1x40xi32, #tpu.memory_space<vmem>> -> memref<40xi32, #tpu.memory_space<vmem>>
    %dma_wait3A_227 = arith.constant 0 : i32
    %dma_wait3A_228 = arith.constant 0 : i32
    %dma_wait3A_229 = tpu.memref_slice %arg8[%dma_wait3A_227, %dma_wait3A_228] : memref<10000x8xf32, #tpu.memory_space<vmem_shared>> -> memref<10000x8xf32, #tpu.memory_space<vmem_shared>>
    tpu.wait_indirect_dma semaphore(%arg9 : memref<!tpu.dma_semaphore, #tpu.memory_space<semaphore_mem>>) src(%arg7 : memref<40x8xf32, #tpu.memory_space<vmem>>) dst(%dma_wait3A_229 : memref<10000x8xf32, #tpu.memory_space<vmem_shared>>)
    %barrier3A_230 = arith.constant 0 : index
    tpu.barrier barrier_id(%barrier3A_230)
    %mul3A_231 = arith.constant 625 : i32
    %mul3A_232 = arith.muli %arg1, %mul3A_231 : i32
    "tpu.region"() ({
      %run_scoped3A_233 = tpu.sem_alloc : memref<!tpu.dma_semaphore, #tpu.memory_space<semaphore_mem>>
      %dma_start3A_234 = arith.constant 0 : i32
      %dma_start3A_235 = arith.constant 0 : i32
      %dma_start3A_236 = tpu.memref_slice %arg5[%arg0, %arg1, %dma_start3A_234, %dma_start3A_235] : memref<2x16x625x8xf32, #tpu.memory_space<hbm>> -> memref<1x1x625x8xf32, #tpu.memory_space<hbm>>
      %dma_start3A_237 = tpu.memref_squeeze %dma_start3A_236 : memref<1x1x625x8xf32, #tpu.memory_space<hbm>> -> memref<625x8xf32, #tpu.memory_space<hbm>>
      %dma_start3A_238 = arith.constant 0 : i32
      %dma_start3A_239 = tpu.memref_slice %arg8[%mul3A_232, %dma_start3A_238] : memref<10000x8xf32, #tpu.memory_space<vmem_shared>> -> memref<625x8xf32, #tpu.memory_space<vmem_shared>>
      tpu.enqueue_dma source(%dma_start3A_239 : memref<625x8xf32, #tpu.memory_space<vmem_shared>>) target(%dma_start3A_237 : memref<625x8xf32, #tpu.memory_space<hbm>>) target_semaphore(%run_scoped3A_233 : memref<!tpu.dma_semaphore, #tpu.memory_space<semaphore_mem>>)
      %dma_wait3A_240 = arith.constant 0 : i32
      %dma_wait3A_241 = arith.constant 0 : i32
      %dma_wait3A_242 = tpu.memref_slice %arg5[%arg0, %arg1, %dma_wait3A_240, %dma_wait3A_241] : memref<2x16x625x8xf32, #tpu.memory_space<hbm>> -> memref<1x1x625x8xf32, #tpu.memory_space<hbm>>
      %dma_wait3A_243 = tpu.memref_squeeze %dma_wait3A_242 : memref<1x1x625x8xf32, #tpu.memory_space<hbm>> -> memref<625x8xf32, #tpu.memory_space<hbm>>
      %dma_wait3A_244 = arith.constant 0 : i32
      %dma_wait3A_245 = tpu.memref_slice %arg8[%mul3A_232, %dma_wait3A_244] : memref<10000x8xf32, #tpu.memory_space<vmem_shared>> -> memref<625x8xf32, #tpu.memory_space<vmem_shared>>
      tpu.wait_dma2 semaphore(%run_scoped3A_233 : memref<!tpu.dma_semaphore, #tpu.memory_space<semaphore_mem>>) src(%dma_wait3A_245 : memref<625x8xf32, #tpu.memory_space<vmem_shared>>) dst(%dma_wait3A_243 : memref<625x8xf32, #tpu.memory_space<hbm>>)
      tpu.yield
    }) : () -> ()
    return
  }
}

#map = affine_map<(d0, d1) -> (0, 0)>
#map1 = affine_map<(d0, d1) -> (0, 0, 0, 0)>
module attributes {stable_mosaic.version = 14 : i64} {
  func.func @_edge_body(%arg0: i32, %arg1: i32, %arg2: memref<10000x128xf32, #tpu.memory_space<hbm>>, %arg3: memref<2x32x250x40xi32, #tpu.memory_space<hbm>>, %arg4: memref<625x128xf32, #tpu.memory_space<hbm>>, %arg5: memref<2x16x625x128xf32, #tpu.memory_space<hbm>>, %arg6: memref<250x40xi32, #tpu.memory_space<vmem>>, %arg7: memref<250x40xi32, #tpu.memory_space<vmem>>, %arg8: memref<5x40x128xf32, #tpu.memory_space<vmem>>, %arg9: memref<10000x128xf32, #tpu.memory_space<vmem_shared>>, %arg10: memref<5x!tpu.dma_semaphore, #tpu.memory_space<semaphore_mem>>) attributes {dimension_semantics = [#tpu.dimension_semantics<core_parallel>, #tpu.dimension_semantics<subcore_parallel>], iteration_bounds = array<i64: 2, 16>, scalar_prefetch = 0 : i64, scratch_operands = 5 : i64, tpu.core_type = #tpu.core_type<sc_vector_subcore>, window_params = [{transform_indices = #map}, {transform_indices = #map1}, {transform_indices = #map}, {transform_indices = #map1}]} {
    %mul3A = arith.constant 16 : i32
    %mul3A_0 = arith.muli %arg0, %mul3A : i32
    %add3A = arith.addi %mul3A_0, %arg1 : i32
    %mul3A_1 = arith.constant 625 : i32
    %mul3A_2 = arith.muli %arg1, %mul3A_1 : i32
    "tpu.region"() ({
      %run_scoped3A_170 = tpu.sem_alloc : memref<!tpu.dma_semaphore, #tpu.memory_space<semaphore_mem>>
      %dma_start3A_171 = arith.constant 0 : i32
      %dma_start3A_172 = tpu.memref_slice %arg9[%mul3A_2, %dma_start3A_171] : memref<10000x128xf32, #tpu.memory_space<vmem_shared>> -> memref<625x128xf32, #tpu.memory_space<vmem_shared>>
      tpu.enqueue_dma source(%arg4 : memref<625x128xf32, #tpu.memory_space<hbm>>) target(%dma_start3A_172 : memref<625x128xf32, #tpu.memory_space<vmem_shared>>) target_semaphore(%run_scoped3A_170 : memref<!tpu.dma_semaphore, #tpu.memory_space<semaphore_mem>>)
      %dma_wait3A_173 = arith.constant 0 : i32
      %dma_wait3A_174 = tpu.memref_slice %arg9[%mul3A_2, %dma_wait3A_173] : memref<10000x128xf32, #tpu.memory_space<vmem_shared>> -> memref<625x128xf32, #tpu.memory_space<vmem_shared>>
      tpu.wait_dma2 semaphore(%run_scoped3A_170 : memref<!tpu.dma_semaphore, #tpu.memory_space<semaphore_mem>>) src(%arg4 : memref<625x128xf32, #tpu.memory_space<hbm>>) dst(%dma_wait3A_174 : memref<625x128xf32, #tpu.memory_space<vmem_shared>>)
      tpu.yield
    }) : () -> ()
    %run_scoped3A = arith.constant 0 : i32
    "tpu.region"() ({
      %run_scoped3A_170 = tpu.sem_alloc : memref<!tpu.dma_semaphore, #tpu.memory_space<semaphore_mem>>
      %dma_start3A_171 = arith.constant 0 : i32
      %dma_start3A_172 = arith.constant 0 : i32
      %dma_start3A_173 = tpu.memref_slice %arg3[%run_scoped3A, %add3A, %dma_start3A_171, %dma_start3A_172] : memref<2x32x250x40xi32, #tpu.memory_space<hbm>> -> memref<1x1x250x40xi32, #tpu.memory_space<hbm>>
      %dma_start3A_174 = tpu.memref_squeeze %dma_start3A_173 : memref<1x1x250x40xi32, #tpu.memory_space<hbm>> -> memref<250x40xi32, #tpu.memory_space<hbm>>
      %dma_start3A_175 = arith.constant 0 : i32
      %dma_start3A_176 = arith.constant 0 : i32
      %dma_start3A_177 = tpu.memref_slice %arg3[%run_scoped3A, %add3A, %dma_start3A_175, %dma_start3A_176] : memref<2x32x250x40xi32, #tpu.memory_space<hbm>> -> memref<1x1x250x40xi32, #tpu.memory_space<hbm>>
      %dma_start3A_178 = tpu.memref_squeeze %dma_start3A_177 : memref<1x1x250x40xi32, #tpu.memory_space<hbm>> -> memref<250x40xi32, #tpu.memory_space<hbm>>
      tpu.enqueue_dma source(%dma_start3A_178 : memref<250x40xi32, #tpu.memory_space<hbm>>) target(%arg6 : memref<250x40xi32, #tpu.memory_space<vmem>>) target_semaphore(%run_scoped3A_170 : memref<!tpu.dma_semaphore, #tpu.memory_space<semaphore_mem>>)
      %dma_wait3A_179 = arith.constant 0 : i32
      %dma_wait3A_180 = arith.constant 0 : i32
      %dma_wait3A_181 = tpu.memref_slice %arg3[%run_scoped3A, %add3A, %dma_wait3A_179, %dma_wait3A_180] : memref<2x32x250x40xi32, #tpu.memory_space<hbm>> -> memref<1x1x250x40xi32, #tpu.memory_space<hbm>>
      %dma_wait3A_182 = tpu.memref_squeeze %dma_wait3A_181 : memref<1x1x250x40xi32, #tpu.memory_space<hbm>> -> memref<250x40xi32, #tpu.memory_space<hbm>>
      %dma_wait3A_183 = arith.constant 0 : i32
      %dma_wait3A_184 = arith.constant 0 : i32
      %dma_wait3A_185 = tpu.memref_slice %arg3[%run_scoped3A, %add3A, %dma_wait3A_183, %dma_wait3A_184] : memref<2x32x250x40xi32, #tpu.memory_space<hbm>> -> memref<1x1x250x40xi32, #tpu.memory_space<hbm>>
      %dma_wait3A_186 = tpu.memref_squeeze %dma_wait3A_185 : memref<1x1x250x40xi32, #tpu.memory_space<hbm>> -> memref<250x40xi32, #tpu.memory_space<hbm>>
      tpu.wait_dma2 semaphore(%run_scoped3A_170 : memref<!tpu.dma_semaphore, #tpu.memory_space<semaphore_mem>>) src(%dma_wait3A_186 : memref<250x40xi32, #tpu.memory_space<hbm>>) dst(%arg6 : memref<250x40xi32, #tpu.memory_space<vmem>>)
      tpu.yield
    }) : () -> ()
    %run_scoped3A_3 = arith.constant 1 : i32
    "tpu.region"() ({
      %run_scoped3A_170 = tpu.sem_alloc : memref<!tpu.dma_semaphore, #tpu.memory_space<semaphore_mem>>
      %dma_start3A_171 = arith.constant 0 : i32
      %dma_start3A_172 = arith.constant 0 : i32
      %dma_start3A_173 = tpu.memref_slice %arg3[%run_scoped3A_3, %add3A, %dma_start3A_171, %dma_start3A_172] : memref<2x32x250x40xi32, #tpu.memory_space<hbm>> -> memref<1x1x250x40xi32, #tpu.memory_space<hbm>>
      %dma_start3A_174 = tpu.memref_squeeze %dma_start3A_173 : memref<1x1x250x40xi32, #tpu.memory_space<hbm>> -> memref<250x40xi32, #tpu.memory_space<hbm>>
      %dma_start3A_175 = arith.constant 0 : i32
      %dma_start3A_176 = arith.constant 0 : i32
      %dma_start3A_177 = tpu.memref_slice %arg3[%run_scoped3A_3, %add3A, %dma_start3A_175, %dma_start3A_176] : memref<2x32x250x40xi32, #tpu.memory_space<hbm>> -> memref<1x1x250x40xi32, #tpu.memory_space<hbm>>
      %dma_start3A_178 = tpu.memref_squeeze %dma_start3A_177 : memref<1x1x250x40xi32, #tpu.memory_space<hbm>> -> memref<250x40xi32, #tpu.memory_space<hbm>>
      tpu.enqueue_dma source(%dma_start3A_178 : memref<250x40xi32, #tpu.memory_space<hbm>>) target(%arg7 : memref<250x40xi32, #tpu.memory_space<vmem>>) target_semaphore(%run_scoped3A_170 : memref<!tpu.dma_semaphore, #tpu.memory_space<semaphore_mem>>)
      %dma_wait3A_179 = arith.constant 0 : i32
      %dma_wait3A_180 = arith.constant 0 : i32
      %dma_wait3A_181 = tpu.memref_slice %arg3[%run_scoped3A_3, %add3A, %dma_wait3A_179, %dma_wait3A_180] : memref<2x32x250x40xi32, #tpu.memory_space<hbm>> -> memref<1x1x250x40xi32, #tpu.memory_space<hbm>>
      %dma_wait3A_182 = tpu.memref_squeeze %dma_wait3A_181 : memref<1x1x250x40xi32, #tpu.memory_space<hbm>> -> memref<250x40xi32, #tpu.memory_space<hbm>>
      %dma_wait3A_183 = arith.constant 0 : i32
      %dma_wait3A_184 = arith.constant 0 : i32
      %dma_wait3A_185 = tpu.memref_slice %arg3[%run_scoped3A_3, %add3A, %dma_wait3A_183, %dma_wait3A_184] : memref<2x32x250x40xi32, #tpu.memory_space<hbm>> -> memref<1x1x250x40xi32, #tpu.memory_space<hbm>>
      %dma_wait3A_186 = tpu.memref_squeeze %dma_wait3A_185 : memref<1x1x250x40xi32, #tpu.memory_space<hbm>> -> memref<250x40xi32, #tpu.memory_space<hbm>>
      tpu.wait_dma2 semaphore(%run_scoped3A_170 : memref<!tpu.dma_semaphore, #tpu.memory_space<semaphore_mem>>) src(%dma_wait3A_186 : memref<250x40xi32, #tpu.memory_space<hbm>>) dst(%arg7 : memref<250x40xi32, #tpu.memory_space<vmem>>)
      tpu.yield
    }) : () -> ()
    %barrier3A = arith.constant 0 : index
    tpu.barrier barrier_id(%barrier3A)
    %dma_start3A = arith.constant 0 : i32
    %dma_start3A_4 = arith.constant 0 : i32
    %dma_start3A_5 = arith.constant 0 : i32
    %dma_start3A_6 = arith.constant 0 : i32
    %dma_start3A_7 = arith.constant 0 : i32
    %dma_start3A_8 = tpu.memref_slice %arg8[%dma_start3A_4, %dma_start3A_6, %dma_start3A_7] : memref<5x40x128xf32, #tpu.memory_space<vmem>> -> memref<1x40x128xf32, #tpu.memory_space<vmem>>
    %dma_start3A_9 = tpu.memref_squeeze %dma_start3A_8 : memref<1x40x128xf32, #tpu.memory_space<vmem>> -> memref<40x128xf32, #tpu.memory_space<vmem>>
    %dma_start3A_10 = arith.constant 0 : i32
    %dma_start3A_11 = tpu.memref_slice %arg6[%dma_start3A, %dma_start3A_10] : memref<250x40xi32, #tpu.memory_space<vmem>> -> memref<1x40xi32, #tpu.memory_space<vmem>>
    %dma_start3A_12 = tpu.memref_squeeze %dma_start3A_11 : memref<1x40xi32, #tpu.memory_space<vmem>> -> memref<40xi32, #tpu.memory_space<vmem>>
    %dma_start3A_13 = arith.constant 0 : i32
    %dma_start3A_14 = arith.constant 0 : i32
    %dma_start3A_15 = tpu.memref_slice %arg2[%dma_start3A_13, %dma_start3A_14] : memref<10000x128xf32, #tpu.memory_space<hbm>> -> memref<10000x128xf32, #tpu.memory_space<hbm>>
    %dma_start3A_16 = tpu.memref_slice %arg10[%dma_start3A_5] : memref<5x!tpu.dma_semaphore, #tpu.memory_space<semaphore_mem>> -> memref<1x!tpu.dma_semaphore, #tpu.memory_space<semaphore_mem>>
    %dma_start3A_17 = tpu.memref_squeeze %dma_start3A_16 : memref<1x!tpu.dma_semaphore, #tpu.memory_space<semaphore_mem>> -> memref<!tpu.dma_semaphore, #tpu.memory_space<semaphore_mem>>
    tpu.enqueue_indirect_dma source(%dma_start3A_15 : memref<10000x128xf32, #tpu.memory_space<hbm>>) target(%dma_start3A_9 : memref<40x128xf32, #tpu.memory_space<vmem>>) offsets(%dma_start3A_12 : memref<40xi32, #tpu.memory_space<vmem>>) semaphore(%dma_start3A_17 : memref<!tpu.dma_semaphore, #tpu.memory_space<semaphore_mem>>)
    %dma_start3A_18 = arith.constant 1 : i32
    %dma_start3A_19 = arith.constant 1 : i32
    %dma_start3A_20 = arith.constant 1 : i32
    %dma_start3A_21 = arith.constant 0 : i32
    %dma_start3A_22 = arith.constant 0 : i32
    %dma_start3A_23 = tpu.memref_slice %arg8[%dma_start3A_19, %dma_start3A_21, %dma_start3A_22] : memref<5x40x128xf32, #tpu.memory_space<vmem>> -> memref<1x40x128xf32, #tpu.memory_space<vmem>>
    %dma_start3A_24 = tpu.memref_squeeze %dma_start3A_23 : memref<1x40x128xf32, #tpu.memory_space<vmem>> -> memref<40x128xf32, #tpu.memory_space<vmem>>
    %dma_start3A_25 = arith.constant 0 : i32
    %dma_start3A_26 = tpu.memref_slice %arg6[%dma_start3A_18, %dma_start3A_25] : memref<250x40xi32, #tpu.memory_space<vmem>> -> memref<1x40xi32, #tpu.memory_space<vmem>>
    %dma_start3A_27 = tpu.memref_squeeze %dma_start3A_26 : memref<1x40xi32, #tpu.memory_space<vmem>> -> memref<40xi32, #tpu.memory_space<vmem>>
    %dma_start3A_28 = arith.constant 0 : i32
    %dma_start3A_29 = arith.constant 0 : i32
    %dma_start3A_30 = tpu.memref_slice %arg2[%dma_start3A_28, %dma_start3A_29] : memref<10000x128xf32, #tpu.memory_space<hbm>> -> memref<10000x128xf32, #tpu.memory_space<hbm>>
    %dma_start3A_31 = tpu.memref_slice %arg10[%dma_start3A_20] : memref<5x!tpu.dma_semaphore, #tpu.memory_space<semaphore_mem>> -> memref<1x!tpu.dma_semaphore, #tpu.memory_space<semaphore_mem>>
    %dma_start3A_32 = tpu.memref_squeeze %dma_start3A_31 : memref<1x!tpu.dma_semaphore, #tpu.memory_space<semaphore_mem>> -> memref<!tpu.dma_semaphore, #tpu.memory_space<semaphore_mem>>
    tpu.enqueue_indirect_dma source(%dma_start3A_30 : memref<10000x128xf32, #tpu.memory_space<hbm>>) target(%dma_start3A_24 : memref<40x128xf32, #tpu.memory_space<vmem>>) offsets(%dma_start3A_27 : memref<40xi32, #tpu.memory_space<vmem>>) semaphore(%dma_start3A_32 : memref<!tpu.dma_semaphore, #tpu.memory_space<semaphore_mem>>)
    %dma_start3A_33 = arith.constant 2 : i32
    %dma_start3A_34 = arith.constant 2 : i32
    %dma_start3A_35 = arith.constant 2 : i32
    %dma_start3A_36 = arith.constant 0 : i32
    %dma_start3A_37 = arith.constant 0 : i32
    %dma_start3A_38 = tpu.memref_slice %arg8[%dma_start3A_34, %dma_start3A_36, %dma_start3A_37] : memref<5x40x128xf32, #tpu.memory_space<vmem>> -> memref<1x40x128xf32, #tpu.memory_space<vmem>>
    %dma_start3A_39 = tpu.memref_squeeze %dma_start3A_38 : memref<1x40x128xf32, #tpu.memory_space<vmem>> -> memref<40x128xf32, #tpu.memory_space<vmem>>
    %dma_start3A_40 = arith.constant 0 : i32
    %dma_start3A_41 = tpu.memref_slice %arg6[%dma_start3A_33, %dma_start3A_40] : memref<250x40xi32, #tpu.memory_space<vmem>> -> memref<1x40xi32, #tpu.memory_space<vmem>>
    %dma_start3A_42 = tpu.memref_squeeze %dma_start3A_41 : memref<1x40xi32, #tpu.memory_space<vmem>> -> memref<40xi32, #tpu.memory_space<vmem>>
    %dma_start3A_43 = arith.constant 0 : i32
    %dma_start3A_44 = arith.constant 0 : i32
    %dma_start3A_45 = tpu.memref_slice %arg2[%dma_start3A_43, %dma_start3A_44] : memref<10000x128xf32, #tpu.memory_space<hbm>> -> memref<10000x128xf32, #tpu.memory_space<hbm>>
    %dma_start3A_46 = tpu.memref_slice %arg10[%dma_start3A_35] : memref<5x!tpu.dma_semaphore, #tpu.memory_space<semaphore_mem>> -> memref<1x!tpu.dma_semaphore, #tpu.memory_space<semaphore_mem>>
    %dma_start3A_47 = tpu.memref_squeeze %dma_start3A_46 : memref<1x!tpu.dma_semaphore, #tpu.memory_space<semaphore_mem>> -> memref<!tpu.dma_semaphore, #tpu.memory_space<semaphore_mem>>
    tpu.enqueue_indirect_dma source(%dma_start3A_45 : memref<10000x128xf32, #tpu.memory_space<hbm>>) target(%dma_start3A_39 : memref<40x128xf32, #tpu.memory_space<vmem>>) offsets(%dma_start3A_42 : memref<40xi32, #tpu.memory_space<vmem>>) semaphore(%dma_start3A_47 : memref<!tpu.dma_semaphore, #tpu.memory_space<semaphore_mem>>)
    %dma_start3A_48 = arith.constant 3 : i32
    %dma_start3A_49 = arith.constant 3 : i32
    %dma_start3A_50 = arith.constant 3 : i32
    %dma_start3A_51 = arith.constant 0 : i32
    %dma_start3A_52 = arith.constant 0 : i32
    %dma_start3A_53 = tpu.memref_slice %arg8[%dma_start3A_49, %dma_start3A_51, %dma_start3A_52] : memref<5x40x128xf32, #tpu.memory_space<vmem>> -> memref<1x40x128xf32, #tpu.memory_space<vmem>>
    %dma_start3A_54 = tpu.memref_squeeze %dma_start3A_53 : memref<1x40x128xf32, #tpu.memory_space<vmem>> -> memref<40x128xf32, #tpu.memory_space<vmem>>
    %dma_start3A_55 = arith.constant 0 : i32
    %dma_start3A_56 = tpu.memref_slice %arg6[%dma_start3A_48, %dma_start3A_55] : memref<250x40xi32, #tpu.memory_space<vmem>> -> memref<1x40xi32, #tpu.memory_space<vmem>>
    %dma_start3A_57 = tpu.memref_squeeze %dma_start3A_56 : memref<1x40xi32, #tpu.memory_space<vmem>> -> memref<40xi32, #tpu.memory_space<vmem>>
    %dma_start3A_58 = arith.constant 0 : i32
    %dma_start3A_59 = arith.constant 0 : i32
    %dma_start3A_60 = tpu.memref_slice %arg2[%dma_start3A_58, %dma_start3A_59] : memref<10000x128xf32, #tpu.memory_space<hbm>> -> memref<10000x128xf32, #tpu.memory_space<hbm>>
    %dma_start3A_61 = tpu.memref_slice %arg10[%dma_start3A_50] : memref<5x!tpu.dma_semaphore, #tpu.memory_space<semaphore_mem>> -> memref<1x!tpu.dma_semaphore, #tpu.memory_space<semaphore_mem>>
    %dma_start3A_62 = tpu.memref_squeeze %dma_start3A_61 : memref<1x!tpu.dma_semaphore, #tpu.memory_space<semaphore_mem>> -> memref<!tpu.dma_semaphore, #tpu.memory_space<semaphore_mem>>
    tpu.enqueue_indirect_dma source(%dma_start3A_60 : memref<10000x128xf32, #tpu.memory_space<hbm>>) target(%dma_start3A_54 : memref<40x128xf32, #tpu.memory_space<vmem>>) offsets(%dma_start3A_57 : memref<40xi32, #tpu.memory_space<vmem>>) semaphore(%dma_start3A_62 : memref<!tpu.dma_semaphore, #tpu.memory_space<semaphore_mem>>)
    %dma_start3A_63 = arith.constant 4 : i32
    %dma_start3A_64 = arith.constant 4 : i32
    %dma_start3A_65 = arith.constant 4 : i32
    %dma_start3A_66 = arith.constant 0 : i32
    %dma_start3A_67 = arith.constant 0 : i32
    %dma_start3A_68 = tpu.memref_slice %arg8[%dma_start3A_64, %dma_start3A_66, %dma_start3A_67] : memref<5x40x128xf32, #tpu.memory_space<vmem>> -> memref<1x40x128xf32, #tpu.memory_space<vmem>>
    %dma_start3A_69 = tpu.memref_squeeze %dma_start3A_68 : memref<1x40x128xf32, #tpu.memory_space<vmem>> -> memref<40x128xf32, #tpu.memory_space<vmem>>
    %dma_start3A_70 = arith.constant 0 : i32
    %dma_start3A_71 = tpu.memref_slice %arg6[%dma_start3A_63, %dma_start3A_70] : memref<250x40xi32, #tpu.memory_space<vmem>> -> memref<1x40xi32, #tpu.memory_space<vmem>>
    %dma_start3A_72 = tpu.memref_squeeze %dma_start3A_71 : memref<1x40xi32, #tpu.memory_space<vmem>> -> memref<40xi32, #tpu.memory_space<vmem>>
    %dma_start3A_73 = arith.constant 0 : i32
    %dma_start3A_74 = arith.constant 0 : i32
    %dma_start3A_75 = tpu.memref_slice %arg2[%dma_start3A_73, %dma_start3A_74] : memref<10000x128xf32, #tpu.memory_space<hbm>> -> memref<10000x128xf32, #tpu.memory_space<hbm>>
    %dma_start3A_76 = tpu.memref_slice %arg10[%dma_start3A_65] : memref<5x!tpu.dma_semaphore, #tpu.memory_space<semaphore_mem>> -> memref<1x!tpu.dma_semaphore, #tpu.memory_space<semaphore_mem>>
    %dma_start3A_77 = tpu.memref_squeeze %dma_start3A_76 : memref<1x!tpu.dma_semaphore, #tpu.memory_space<semaphore_mem>> -> memref<!tpu.dma_semaphore, #tpu.memory_space<semaphore_mem>>
    tpu.enqueue_indirect_dma source(%dma_start3A_75 : memref<10000x128xf32, #tpu.memory_space<hbm>>) target(%dma_start3A_69 : memref<40x128xf32, #tpu.memory_space<vmem>>) offsets(%dma_start3A_72 : memref<40xi32, #tpu.memory_space<vmem>>) semaphore(%dma_start3A_77 : memref<!tpu.dma_semaphore, #tpu.memory_space<semaphore_mem>>)
    %scan3A = arith.constant 0 : i32
    %scan3A_78 = arith.constant 0 : i32
    %scan3A_79 = arith.constant 49 : i32
    %scan3A_80 = arith.addi %scan3A_78, %scan3A_79 : i32
    %scan3A_81 = arith.constant 1 : i32
    scf.for %scan3A_170 = %scan3A_78 to %scan3A_80 step %scan3A_81  : i32 {
      %mul3A_171 = arith.constant 5 : i32
      %mul3A_172 = arith.muli %scan3A_170, %mul3A_171 : i32
      %add3A_173 = arith.constant 0 : i32
      %add3A_174 = arith.addi %mul3A_172, %add3A_173 : i32
      %dma_wait3A_175 = arith.constant 0 : i32
      %dma_wait3A_176 = arith.constant 0 : i32
      %dma_wait3A_177 = arith.constant 0 : i32
      %dma_wait3A_178 = arith.constant 0 : i32
      %dma_wait3A_179 = arith.constant 0 : i32
      %dma_wait3A_180 = tpu.memref_slice %arg8[%dma_wait3A_176, %dma_wait3A_178, %dma_wait3A_179] : memref<5x40x128xf32, #tpu.memory_space<vmem>> -> memref<1x40x128xf32, #tpu.memory_space<vmem>>
      %dma_wait3A_181 = tpu.memref_squeeze %dma_wait3A_180 : memref<1x40x128xf32, #tpu.memory_space<vmem>> -> memref<40x128xf32, #tpu.memory_space<vmem>>
      %dma_wait3A_182 = arith.constant 0 : i32
      %dma_wait3A_183 = tpu.memref_slice %arg6[%dma_wait3A_175, %dma_wait3A_182] : memref<250x40xi32, #tpu.memory_space<vmem>> -> memref<1x40xi32, #tpu.memory_space<vmem>>
      %dma_wait3A_184 = tpu.memref_squeeze %dma_wait3A_183 : memref<1x40xi32, #tpu.memory_space<vmem>> -> memref<40xi32, #tpu.memory_space<vmem>>
      %dma_wait3A_185 = arith.constant 0 : i32
      %dma_wait3A_186 = arith.constant 0 : i32
      %dma_wait3A_187 = tpu.memref_slice %arg2[%dma_wait3A_185, %dma_wait3A_186] : memref<10000x128xf32, #tpu.memory_space<hbm>> -> memref<10000x128xf32, #tpu.memory_space<hbm>>
      %dma_wait3A_188 = tpu.memref_slice %arg10[%dma_wait3A_177] : memref<5x!tpu.dma_semaphore, #tpu.memory_space<semaphore_mem>> -> memref<1x!tpu.dma_semaphore, #tpu.memory_space<semaphore_mem>>
      %dma_wait3A_189 = tpu.memref_squeeze %dma_wait3A_188 : memref<1x!tpu.dma_semaphore, #tpu.memory_space<semaphore_mem>> -> memref<!tpu.dma_semaphore, #tpu.memory_space<semaphore_mem>>
      tpu.wait_indirect_dma semaphore(%dma_wait3A_189 : memref<!tpu.dma_semaphore, #tpu.memory_space<semaphore_mem>>) src(%dma_wait3A_187 : memref<10000x128xf32, #tpu.memory_space<hbm>>) dst(%dma_wait3A_181 : memref<40x128xf32, #tpu.memory_space<vmem>>)
      %run_scoped3A_190 = arith.constant 0 : i32
      "tpu.region"() ({
        %run_scoped3A_351 = tpu.sem_alloc : memref<!tpu.dma_semaphore, #tpu.memory_space<semaphore_mem>>
        %dma_start3A_352 = arith.constant 0 : i32
        %dma_start3A_353 = arith.constant 0 : i32
        %dma_start3A_354 = tpu.memref_slice %arg8[%run_scoped3A_190, %dma_start3A_352, %dma_start3A_353] : memref<5x40x128xf32, #tpu.memory_space<vmem>> -> memref<1x40x128xf32, #tpu.memory_space<vmem>>
        %dma_start3A_355 = tpu.memref_squeeze %dma_start3A_354 : memref<1x40x128xf32, #tpu.memory_space<vmem>> -> memref<40x128xf32, #tpu.memory_space<vmem>>
        %dma_start3A_356 = arith.constant 0 : i32
        %dma_start3A_357 = tpu.memref_slice %arg7[%add3A_174, %dma_start3A_356] : memref<250x40xi32, #tpu.memory_space<vmem>> -> memref<1x40xi32, #tpu.memory_space<vmem>>
        %dma_start3A_358 = tpu.memref_squeeze %dma_start3A_357 : memref<1x40xi32, #tpu.memory_space<vmem>> -> memref<40xi32, #tpu.memory_space<vmem>>
        %dma_start3A_359 = arith.constant 0 : i32
        %dma_start3A_360 = arith.constant 0 : i32
        %dma_start3A_361 = tpu.memref_slice %arg9[%dma_start3A_359, %dma_start3A_360] : memref<10000x128xf32, #tpu.memory_space<vmem_shared>> -> memref<10000x128xf32, #tpu.memory_space<vmem_shared>>
        tpu.enqueue_indirect_dma source(%dma_start3A_355 : memref<40x128xf32, #tpu.memory_space<vmem>>) target(%dma_start3A_361 : memref<10000x128xf32, #tpu.memory_space<vmem_shared>>) offsets(%dma_start3A_358 : memref<40xi32, #tpu.memory_space<vmem>>) semaphore(%run_scoped3A_351 : memref<!tpu.dma_semaphore, #tpu.memory_space<semaphore_mem>>) {add = true}
        %dma_wait3A_362 = arith.constant 0 : i32
        %dma_wait3A_363 = arith.constant 0 : i32
        %dma_wait3A_364 = tpu.memref_slice %arg8[%run_scoped3A_190, %dma_wait3A_362, %dma_wait3A_363] : memref<5x40x128xf32, #tpu.memory_space<vmem>> -> memref<1x40x128xf32, #tpu.memory_space<vmem>>
        %dma_wait3A_365 = tpu.memref_squeeze %dma_wait3A_364 : memref<1x40x128xf32, #tpu.memory_space<vmem>> -> memref<40x128xf32, #tpu.memory_space<vmem>>
        %dma_wait3A_366 = arith.constant 0 : i32
        %dma_wait3A_367 = tpu.memref_slice %arg7[%add3A_174, %dma_wait3A_366] : memref<250x40xi32, #tpu.memory_space<vmem>> -> memref<1x40xi32, #tpu.memory_space<vmem>>
        %dma_wait3A_368 = tpu.memref_squeeze %dma_wait3A_367 : memref<1x40xi32, #tpu.memory_space<vmem>> -> memref<40xi32, #tpu.memory_space<vmem>>
        %dma_wait3A_369 = arith.constant 0 : i32
        %dma_wait3A_370 = arith.constant 0 : i32
        %dma_wait3A_371 = tpu.memref_slice %arg9[%dma_wait3A_369, %dma_wait3A_370] : memref<10000x128xf32, #tpu.memory_space<vmem_shared>> -> memref<10000x128xf32, #tpu.memory_space<vmem_shared>>
        tpu.wait_indirect_dma semaphore(%run_scoped3A_351 : memref<!tpu.dma_semaphore, #tpu.memory_space<semaphore_mem>>) src(%dma_wait3A_365 : memref<40x128xf32, #tpu.memory_space<vmem>>) dst(%dma_wait3A_371 : memref<10000x128xf32, #tpu.memory_space<vmem_shared>>)
        tpu.yield
      }) : () -> ()
      %add3A_191 = arith.constant 5 : i32
      %add3A_192 = arith.addi %add3A_174, %add3A_191 : i32
      %dma_start3A_193 = arith.constant 0 : i32
      %dma_start3A_194 = arith.constant 0 : i32
      %dma_start3A_195 = arith.constant 0 : i32
      %dma_start3A_196 = arith.constant 0 : i32
      %dma_start3A_197 = tpu.memref_slice %arg8[%dma_start3A_193, %dma_start3A_195, %dma_start3A_196] : memref<5x40x128xf32, #tpu.memory_space<vmem>> -> memref<1x40x128xf32, #tpu.memory_space<vmem>>
      %dma_start3A_198 = tpu.memref_squeeze %dma_start3A_197 : memref<1x40x128xf32, #tpu.memory_space<vmem>> -> memref<40x128xf32, #tpu.memory_space<vmem>>
      %dma_start3A_199 = arith.constant 0 : i32
      %dma_start3A_200 = tpu.memref_slice %arg6[%add3A_192, %dma_start3A_199] : memref<250x40xi32, #tpu.memory_space<vmem>> -> memref<1x40xi32, #tpu.memory_space<vmem>>
      %dma_start3A_201 = tpu.memref_squeeze %dma_start3A_200 : memref<1x40xi32, #tpu.memory_space<vmem>> -> memref<40xi32, #tpu.memory_space<vmem>>
      %dma_start3A_202 = arith.constant 0 : i32
      %dma_start3A_203 = arith.constant 0 : i32
      %dma_start3A_204 = tpu.memref_slice %arg2[%dma_start3A_202, %dma_start3A_203] : memref<10000x128xf32, #tpu.memory_space<hbm>> -> memref<10000x128xf32, #tpu.memory_space<hbm>>
      %dma_start3A_205 = tpu.memref_slice %arg10[%dma_start3A_194] : memref<5x!tpu.dma_semaphore, #tpu.memory_space<semaphore_mem>> -> memref<1x!tpu.dma_semaphore, #tpu.memory_space<semaphore_mem>>
      %dma_start3A_206 = tpu.memref_squeeze %dma_start3A_205 : memref<1x!tpu.dma_semaphore, #tpu.memory_space<semaphore_mem>> -> memref<!tpu.dma_semaphore, #tpu.memory_space<semaphore_mem>>
      tpu.enqueue_indirect_dma source(%dma_start3A_204 : memref<10000x128xf32, #tpu.memory_space<hbm>>) target(%dma_start3A_198 : memref<40x128xf32, #tpu.memory_space<vmem>>) offsets(%dma_start3A_201 : memref<40xi32, #tpu.memory_space<vmem>>) semaphore(%dma_start3A_206 : memref<!tpu.dma_semaphore, #tpu.memory_space<semaphore_mem>>)
      %mul3A_207 = arith.constant 5 : i32
      %mul3A_208 = arith.muli %scan3A_170, %mul3A_207 : i32
      %add3A_209 = arith.constant 1 : i32
      %add3A_210 = arith.addi %mul3A_208, %add3A_209 : i32
      %dma_wait3A_211 = arith.constant 0 : i32
      %dma_wait3A_212 = arith.constant 1 : i32
      %dma_wait3A_213 = arith.constant 1 : i32
      %dma_wait3A_214 = arith.constant 0 : i32
      %dma_wait3A_215 = arith.constant 0 : i32
      %dma_wait3A_216 = tpu.memref_slice %arg8[%dma_wait3A_212, %dma_wait3A_214, %dma_wait3A_215] : memref<5x40x128xf32, #tpu.memory_space<vmem>> -> memref<1x40x128xf32, #tpu.memory_space<vmem>>
      %dma_wait3A_217 = tpu.memref_squeeze %dma_wait3A_216 : memref<1x40x128xf32, #tpu.memory_space<vmem>> -> memref<40x128xf32, #tpu.memory_space<vmem>>
      %dma_wait3A_218 = arith.constant 0 : i32
      %dma_wait3A_219 = tpu.memref_slice %arg6[%dma_wait3A_211, %dma_wait3A_218] : memref<250x40xi32, #tpu.memory_space<vmem>> -> memref<1x40xi32, #tpu.memory_space<vmem>>
      %dma_wait3A_220 = tpu.memref_squeeze %dma_wait3A_219 : memref<1x40xi32, #tpu.memory_space<vmem>> -> memref<40xi32, #tpu.memory_space<vmem>>
      %dma_wait3A_221 = arith.constant 0 : i32
      %dma_wait3A_222 = arith.constant 0 : i32
      %dma_wait3A_223 = tpu.memref_slice %arg2[%dma_wait3A_221, %dma_wait3A_222] : memref<10000x128xf32, #tpu.memory_space<hbm>> -> memref<10000x128xf32, #tpu.memory_space<hbm>>
      %dma_wait3A_224 = tpu.memref_slice %arg10[%dma_wait3A_213] : memref<5x!tpu.dma_semaphore, #tpu.memory_space<semaphore_mem>> -> memref<1x!tpu.dma_semaphore, #tpu.memory_space<semaphore_mem>>
      %dma_wait3A_225 = tpu.memref_squeeze %dma_wait3A_224 : memref<1x!tpu.dma_semaphore, #tpu.memory_space<semaphore_mem>> -> memref<!tpu.dma_semaphore, #tpu.memory_space<semaphore_mem>>
      tpu.wait_indirect_dma semaphore(%dma_wait3A_225 : memref<!tpu.dma_semaphore, #tpu.memory_space<semaphore_mem>>) src(%dma_wait3A_223 : memref<10000x128xf32, #tpu.memory_space<hbm>>) dst(%dma_wait3A_217 : memref<40x128xf32, #tpu.memory_space<vmem>>)
      %run_scoped3A_226 = arith.constant 1 : i32
      "tpu.region"() ({
        %run_scoped3A_351 = tpu.sem_alloc : memref<!tpu.dma_semaphore, #tpu.memory_space<semaphore_mem>>
        %dma_start3A_352 = arith.constant 0 : i32
        %dma_start3A_353 = arith.constant 0 : i32
        %dma_start3A_354 = tpu.memref_slice %arg8[%run_scoped3A_226, %dma_start3A_352, %dma_start3A_353] : memref<5x40x128xf32, #tpu.memory_space<vmem>> -> memref<1x40x128xf32, #tpu.memory_space<vmem>>
        %dma_start3A_355 = tpu.memref_squeeze %dma_start3A_354 : memref<1x40x128xf32, #tpu.memory_space<vmem>> -> memref<40x128xf32, #tpu.memory_space<vmem>>
        %dma_start3A_356 = arith.constant 0 : i32
        %dma_start3A_357 = tpu.memref_slice %arg7[%add3A_210, %dma_start3A_356] : memref<250x40xi32, #tpu.memory_space<vmem>> -> memref<1x40xi32, #tpu.memory_space<vmem>>
        %dma_start3A_358 = tpu.memref_squeeze %dma_start3A_357 : memref<1x40xi32, #tpu.memory_space<vmem>> -> memref<40xi32, #tpu.memory_space<vmem>>
        %dma_start3A_359 = arith.constant 0 : i32
        %dma_start3A_360 = arith.constant 0 : i32
        %dma_start3A_361 = tpu.memref_slice %arg9[%dma_start3A_359, %dma_start3A_360] : memref<10000x128xf32, #tpu.memory_space<vmem_shared>> -> memref<10000x128xf32, #tpu.memory_space<vmem_shared>>
        tpu.enqueue_indirect_dma source(%dma_start3A_355 : memref<40x128xf32, #tpu.memory_space<vmem>>) target(%dma_start3A_361 : memref<10000x128xf32, #tpu.memory_space<vmem_shared>>) offsets(%dma_start3A_358 : memref<40xi32, #tpu.memory_space<vmem>>) semaphore(%run_scoped3A_351 : memref<!tpu.dma_semaphore, #tpu.memory_space<semaphore_mem>>) {add = true}
        %dma_wait3A_362 = arith.constant 0 : i32
        %dma_wait3A_363 = arith.constant 0 : i32
        %dma_wait3A_364 = tpu.memref_slice %arg8[%run_scoped3A_226, %dma_wait3A_362, %dma_wait3A_363] : memref<5x40x128xf32, #tpu.memory_space<vmem>> -> memref<1x40x128xf32, #tpu.memory_space<vmem>>
        %dma_wait3A_365 = tpu.memref_squeeze %dma_wait3A_364 : memref<1x40x128xf32, #tpu.memory_space<vmem>> -> memref<40x128xf32, #tpu.memory_space<vmem>>
        %dma_wait3A_366 = arith.constant 0 : i32
        %dma_wait3A_367 = tpu.memref_slice %arg7[%add3A_210, %dma_wait3A_366] : memref<250x40xi32, #tpu.memory_space<vmem>> -> memref<1x40xi32, #tpu.memory_space<vmem>>
        %dma_wait3A_368 = tpu.memref_squeeze %dma_wait3A_367 : memref<1x40xi32, #tpu.memory_space<vmem>> -> memref<40xi32, #tpu.memory_space<vmem>>
        %dma_wait3A_369 = arith.constant 0 : i32
        %dma_wait3A_370 = arith.constant 0 : i32
        %dma_wait3A_371 = tpu.memref_slice %arg9[%dma_wait3A_369, %dma_wait3A_370] : memref<10000x128xf32, #tpu.memory_space<vmem_shared>> -> memref<10000x128xf32, #tpu.memory_space<vmem_shared>>
        tpu.wait_indirect_dma semaphore(%run_scoped3A_351 : memref<!tpu.dma_semaphore, #tpu.memory_space<semaphore_mem>>) src(%dma_wait3A_365 : memref<40x128xf32, #tpu.memory_space<vmem>>) dst(%dma_wait3A_371 : memref<10000x128xf32, #tpu.memory_space<vmem_shared>>)
        tpu.yield
      }) : () -> ()
      %add3A_227 = arith.constant 5 : i32
      %add3A_228 = arith.addi %add3A_210, %add3A_227 : i32
      %dma_start3A_229 = arith.constant 1 : i32
      %dma_start3A_230 = arith.constant 1 : i32
      %dma_start3A_231 = arith.constant 0 : i32
      %dma_start3A_232 = arith.constant 0 : i32
      %dma_start3A_233 = tpu.memref_slice %arg8[%dma_start3A_229, %dma_start3A_231, %dma_start3A_232] : memref<5x40x128xf32, #tpu.memory_space<vmem>> -> memref<1x40x128xf32, #tpu.memory_space<vmem>>
      %dma_start3A_234 = tpu.memref_squeeze %dma_start3A_233 : memref<1x40x128xf32, #tpu.memory_space<vmem>> -> memref<40x128xf32, #tpu.memory_space<vmem>>
      %dma_start3A_235 = arith.constant 0 : i32
      %dma_start3A_236 = tpu.memref_slice %arg6[%add3A_228, %dma_start3A_235] : memref<250x40xi32, #tpu.memory_space<vmem>> -> memref<1x40xi32, #tpu.memory_space<vmem>>
      %dma_start3A_237 = tpu.memref_squeeze %dma_start3A_236 : memref<1x40xi32, #tpu.memory_space<vmem>> -> memref<40xi32, #tpu.memory_space<vmem>>
      %dma_start3A_238 = arith.constant 0 : i32
      %dma_start3A_239 = arith.constant 0 : i32
      %dma_start3A_240 = tpu.memref_slice %arg2[%dma_start3A_238, %dma_start3A_239] : memref<10000x128xf32, #tpu.memory_space<hbm>> -> memref<10000x128xf32, #tpu.memory_space<hbm>>
      %dma_start3A_241 = tpu.memref_slice %arg10[%dma_start3A_230] : memref<5x!tpu.dma_semaphore, #tpu.memory_space<semaphore_mem>> -> memref<1x!tpu.dma_semaphore, #tpu.memory_space<semaphore_mem>>
      %dma_start3A_242 = tpu.memref_squeeze %dma_start3A_241 : memref<1x!tpu.dma_semaphore, #tpu.memory_space<semaphore_mem>> -> memref<!tpu.dma_semaphore, #tpu.memory_space<semaphore_mem>>
      tpu.enqueue_indirect_dma source(%dma_start3A_240 : memref<10000x128xf32, #tpu.memory_space<hbm>>) target(%dma_start3A_234 : memref<40x128xf32, #tpu.memory_space<vmem>>) offsets(%dma_start3A_237 : memref<40xi32, #tpu.memory_space<vmem>>) semaphore(%dma_start3A_242 : memref<!tpu.dma_semaphore, #tpu.memory_space<semaphore_mem>>)
      %mul3A_243 = arith.constant 5 : i32
      %mul3A_244 = arith.muli %scan3A_170, %mul3A_243 : i32
      %add3A_245 = arith.constant 2 : i32
      %add3A_246 = arith.addi %mul3A_244, %add3A_245 : i32
      %dma_wait3A_247 = arith.constant 0 : i32
      %dma_wait3A_248 = arith.constant 2 : i32
      %dma_wait3A_249 = arith.constant 2 : i32
      %dma_wait3A_250 = arith.constant 0 : i32
      %dma_wait3A_251 = arith.constant 0 : i32
      %dma_wait3A_252 = tpu.memref_slice %arg8[%dma_wait3A_248, %dma_wait3A_250, %dma_wait3A_251] : memref<5x40x128xf32, #tpu.memory_space<vmem>> -> memref<1x40x128xf32, #tpu.memory_space<vmem>>
      %dma_wait3A_253 = tpu.memref_squeeze %dma_wait3A_252 : memref<1x40x128xf32, #tpu.memory_space<vmem>> -> memref<40x128xf32, #tpu.memory_space<vmem>>
      %dma_wait3A_254 = arith.constant 0 : i32
      %dma_wait3A_255 = tpu.memref_slice %arg6[%dma_wait3A_247, %dma_wait3A_254] : memref<250x40xi32, #tpu.memory_space<vmem>> -> memref<1x40xi32, #tpu.memory_space<vmem>>
      %dma_wait3A_256 = tpu.memref_squeeze %dma_wait3A_255 : memref<1x40xi32, #tpu.memory_space<vmem>> -> memref<40xi32, #tpu.memory_space<vmem>>
      %dma_wait3A_257 = arith.constant 0 : i32
      %dma_wait3A_258 = arith.constant 0 : i32
      %dma_wait3A_259 = tpu.memref_slice %arg2[%dma_wait3A_257, %dma_wait3A_258] : memref<10000x128xf32, #tpu.memory_space<hbm>> -> memref<10000x128xf32, #tpu.memory_space<hbm>>
      %dma_wait3A_260 = tpu.memref_slice %arg10[%dma_wait3A_249] : memref<5x!tpu.dma_semaphore, #tpu.memory_space<semaphore_mem>> -> memref<1x!tpu.dma_semaphore, #tpu.memory_space<semaphore_mem>>
      %dma_wait3A_261 = tpu.memref_squeeze %dma_wait3A_260 : memref<1x!tpu.dma_semaphore, #tpu.memory_space<semaphore_mem>> -> memref<!tpu.dma_semaphore, #tpu.memory_space<semaphore_mem>>
      tpu.wait_indirect_dma semaphore(%dma_wait3A_261 : memref<!tpu.dma_semaphore, #tpu.memory_space<semaphore_mem>>) src(%dma_wait3A_259 : memref<10000x128xf32, #tpu.memory_space<hbm>>) dst(%dma_wait3A_253 : memref<40x128xf32, #tpu.memory_space<vmem>>)
      %run_scoped3A_262 = arith.constant 2 : i32
      "tpu.region"() ({
        %run_scoped3A_351 = tpu.sem_alloc : memref<!tpu.dma_semaphore, #tpu.memory_space<semaphore_mem>>
        %dma_start3A_352 = arith.constant 0 : i32
        %dma_start3A_353 = arith.constant 0 : i32
        %dma_start3A_354 = tpu.memref_slice %arg8[%run_scoped3A_262, %dma_start3A_352, %dma_start3A_353] : memref<5x40x128xf32, #tpu.memory_space<vmem>> -> memref<1x40x128xf32, #tpu.memory_space<vmem>>
        %dma_start3A_355 = tpu.memref_squeeze %dma_start3A_354 : memref<1x40x128xf32, #tpu.memory_space<vmem>> -> memref<40x128xf32, #tpu.memory_space<vmem>>
        %dma_start3A_356 = arith.constant 0 : i32
        %dma_start3A_357 = tpu.memref_slice %arg7[%add3A_246, %dma_start3A_356] : memref<250x40xi32, #tpu.memory_space<vmem>> -> memref<1x40xi32, #tpu.memory_space<vmem>>
        %dma_start3A_358 = tpu.memref_squeeze %dma_start3A_357 : memref<1x40xi32, #tpu.memory_space<vmem>> -> memref<40xi32, #tpu.memory_space<vmem>>
        %dma_start3A_359 = arith.constant 0 : i32
        %dma_start3A_360 = arith.constant 0 : i32
        %dma_start3A_361 = tpu.memref_slice %arg9[%dma_start3A_359, %dma_start3A_360] : memref<10000x128xf32, #tpu.memory_space<vmem_shared>> -> memref<10000x128xf32, #tpu.memory_space<vmem_shared>>
        tpu.enqueue_indirect_dma source(%dma_start3A_355 : memref<40x128xf32, #tpu.memory_space<vmem>>) target(%dma_start3A_361 : memref<10000x128xf32, #tpu.memory_space<vmem_shared>>) offsets(%dma_start3A_358 : memref<40xi32, #tpu.memory_space<vmem>>) semaphore(%run_scoped3A_351 : memref<!tpu.dma_semaphore, #tpu.memory_space<semaphore_mem>>) {add = true}
        %dma_wait3A_362 = arith.constant 0 : i32
        %dma_wait3A_363 = arith.constant 0 : i32
        %dma_wait3A_364 = tpu.memref_slice %arg8[%run_scoped3A_262, %dma_wait3A_362, %dma_wait3A_363] : memref<5x40x128xf32, #tpu.memory_space<vmem>> -> memref<1x40x128xf32, #tpu.memory_space<vmem>>
        %dma_wait3A_365 = tpu.memref_squeeze %dma_wait3A_364 : memref<1x40x128xf32, #tpu.memory_space<vmem>> -> memref<40x128xf32, #tpu.memory_space<vmem>>
        %dma_wait3A_366 = arith.constant 0 : i32
        %dma_wait3A_367 = tpu.memref_slice %arg7[%add3A_246, %dma_wait3A_366] : memref<250x40xi32, #tpu.memory_space<vmem>> -> memref<1x40xi32, #tpu.memory_space<vmem>>
        %dma_wait3A_368 = tpu.memref_squeeze %dma_wait3A_367 : memref<1x40xi32, #tpu.memory_space<vmem>> -> memref<40xi32, #tpu.memory_space<vmem>>
        %dma_wait3A_369 = arith.constant 0 : i32
        %dma_wait3A_370 = arith.constant 0 : i32
        %dma_wait3A_371 = tpu.memref_slice %arg9[%dma_wait3A_369, %dma_wait3A_370] : memref<10000x128xf32, #tpu.memory_space<vmem_shared>> -> memref<10000x128xf32, #tpu.memory_space<vmem_shared>>
        tpu.wait_indirect_dma semaphore(%run_scoped3A_351 : memref<!tpu.dma_semaphore, #tpu.memory_space<semaphore_mem>>) src(%dma_wait3A_365 : memref<40x128xf32, #tpu.memory_space<vmem>>) dst(%dma_wait3A_371 : memref<10000x128xf32, #tpu.memory_space<vmem_shared>>)
        tpu.yield
      }) : () -> ()
      %add3A_263 = arith.constant 5 : i32
      %add3A_264 = arith.addi %add3A_246, %add3A_263 : i32
      %dma_start3A_265 = arith.constant 2 : i32
      %dma_start3A_266 = arith.constant 2 : i32
      %dma_start3A_267 = arith.constant 0 : i32
      %dma_start3A_268 = arith.constant 0 : i32
      %dma_start3A_269 = tpu.memref_slice %arg8[%dma_start3A_265, %dma_start3A_267, %dma_start3A_268] : memref<5x40x128xf32, #tpu.memory_space<vmem>> -> memref<1x40x128xf32, #tpu.memory_space<vmem>>
      %dma_start3A_270 = tpu.memref_squeeze %dma_start3A_269 : memref<1x40x128xf32, #tpu.memory_space<vmem>> -> memref<40x128xf32, #tpu.memory_space<vmem>>
      %dma_start3A_271 = arith.constant 0 : i32
      %dma_start3A_272 = tpu.memref_slice %arg6[%add3A_264, %dma_start3A_271] : memref<250x40xi32, #tpu.memory_space<vmem>> -> memref<1x40xi32, #tpu.memory_space<vmem>>
      %dma_start3A_273 = tpu.memref_squeeze %dma_start3A_272 : memref<1x40xi32, #tpu.memory_space<vmem>> -> memref<40xi32, #tpu.memory_space<vmem>>
      %dma_start3A_274 = arith.constant 0 : i32
      %dma_start3A_275 = arith.constant 0 : i32
      %dma_start3A_276 = tpu.memref_slice %arg2[%dma_start3A_274, %dma_start3A_275] : memref<10000x128xf32, #tpu.memory_space<hbm>> -> memref<10000x128xf32, #tpu.memory_space<hbm>>
      %dma_start3A_277 = tpu.memref_slice %arg10[%dma_start3A_266] : memref<5x!tpu.dma_semaphore, #tpu.memory_space<semaphore_mem>> -> memref<1x!tpu.dma_semaphore, #tpu.memory_space<semaphore_mem>>
      %dma_start3A_278 = tpu.memref_squeeze %dma_start3A_277 : memref<1x!tpu.dma_semaphore, #tpu.memory_space<semaphore_mem>> -> memref<!tpu.dma_semaphore, #tpu.memory_space<semaphore_mem>>
      tpu.enqueue_indirect_dma source(%dma_start3A_276 : memref<10000x128xf32, #tpu.memory_space<hbm>>) target(%dma_start3A_270 : memref<40x128xf32, #tpu.memory_space<vmem>>) offsets(%dma_start3A_273 : memref<40xi32, #tpu.memory_space<vmem>>) semaphore(%dma_start3A_278 : memref<!tpu.dma_semaphore, #tpu.memory_space<semaphore_mem>>)
      %mul3A_279 = arith.constant 5 : i32
      %mul3A_280 = arith.muli %scan3A_170, %mul3A_279 : i32
      %add3A_281 = arith.constant 3 : i32
      %add3A_282 = arith.addi %mul3A_280, %add3A_281 : i32
      %dma_wait3A_283 = arith.constant 0 : i32
      %dma_wait3A_284 = arith.constant 3 : i32
      %dma_wait3A_285 = arith.constant 3 : i32
      %dma_wait3A_286 = arith.constant 0 : i32
      %dma_wait3A_287 = arith.constant 0 : i32
      %dma_wait3A_288 = tpu.memref_slice %arg8[%dma_wait3A_284, %dma_wait3A_286, %dma_wait3A_287] : memref<5x40x128xf32, #tpu.memory_space<vmem>> -> memref<1x40x128xf32, #tpu.memory_space<vmem>>
      %dma_wait3A_289 = tpu.memref_squeeze %dma_wait3A_288 : memref<1x40x128xf32, #tpu.memory_space<vmem>> -> memref<40x128xf32, #tpu.memory_space<vmem>>
      %dma_wait3A_290 = arith.constant 0 : i32
      %dma_wait3A_291 = tpu.memref_slice %arg6[%dma_wait3A_283, %dma_wait3A_290] : memref<250x40xi32, #tpu.memory_space<vmem>> -> memref<1x40xi32, #tpu.memory_space<vmem>>
      %dma_wait3A_292 = tpu.memref_squeeze %dma_wait3A_291 : memref<1x40xi32, #tpu.memory_space<vmem>> -> memref<40xi32, #tpu.memory_space<vmem>>
      %dma_wait3A_293 = arith.constant 0 : i32
      %dma_wait3A_294 = arith.constant 0 : i32
      %dma_wait3A_295 = tpu.memref_slice %arg2[%dma_wait3A_293, %dma_wait3A_294] : memref<10000x128xf32, #tpu.memory_space<hbm>> -> memref<10000x128xf32, #tpu.memory_space<hbm>>
      %dma_wait3A_296 = tpu.memref_slice %arg10[%dma_wait3A_285] : memref<5x!tpu.dma_semaphore, #tpu.memory_space<semaphore_mem>> -> memref<1x!tpu.dma_semaphore, #tpu.memory_space<semaphore_mem>>
      %dma_wait3A_297 = tpu.memref_squeeze %dma_wait3A_296 : memref<1x!tpu.dma_semaphore, #tpu.memory_space<semaphore_mem>> -> memref<!tpu.dma_semaphore, #tpu.memory_space<semaphore_mem>>
      tpu.wait_indirect_dma semaphore(%dma_wait3A_297 : memref<!tpu.dma_semaphore, #tpu.memory_space<semaphore_mem>>) src(%dma_wait3A_295 : memref<10000x128xf32, #tpu.memory_space<hbm>>) dst(%dma_wait3A_289 : memref<40x128xf32, #tpu.memory_space<vmem>>)
      %run_scoped3A_298 = arith.constant 3 : i32
      "tpu.region"() ({
        %run_scoped3A_351 = tpu.sem_alloc : memref<!tpu.dma_semaphore, #tpu.memory_space<semaphore_mem>>
        %dma_start3A_352 = arith.constant 0 : i32
        %dma_start3A_353 = arith.constant 0 : i32
        %dma_start3A_354 = tpu.memref_slice %arg8[%run_scoped3A_298, %dma_start3A_352, %dma_start3A_353] : memref<5x40x128xf32, #tpu.memory_space<vmem>> -> memref<1x40x128xf32, #tpu.memory_space<vmem>>
        %dma_start3A_355 = tpu.memref_squeeze %dma_start3A_354 : memref<1x40x128xf32, #tpu.memory_space<vmem>> -> memref<40x128xf32, #tpu.memory_space<vmem>>
        %dma_start3A_356 = arith.constant 0 : i32
        %dma_start3A_357 = tpu.memref_slice %arg7[%add3A_282, %dma_start3A_356] : memref<250x40xi32, #tpu.memory_space<vmem>> -> memref<1x40xi32, #tpu.memory_space<vmem>>
        %dma_start3A_358 = tpu.memref_squeeze %dma_start3A_357 : memref<1x40xi32, #tpu.memory_space<vmem>> -> memref<40xi32, #tpu.memory_space<vmem>>
        %dma_start3A_359 = arith.constant 0 : i32
        %dma_start3A_360 = arith.constant 0 : i32
        %dma_start3A_361 = tpu.memref_slice %arg9[%dma_start3A_359, %dma_start3A_360] : memref<10000x128xf32, #tpu.memory_space<vmem_shared>> -> memref<10000x128xf32, #tpu.memory_space<vmem_shared>>
        tpu.enqueue_indirect_dma source(%dma_start3A_355 : memref<40x128xf32, #tpu.memory_space<vmem>>) target(%dma_start3A_361 : memref<10000x128xf32, #tpu.memory_space<vmem_shared>>) offsets(%dma_start3A_358 : memref<40xi32, #tpu.memory_space<vmem>>) semaphore(%run_scoped3A_351 : memref<!tpu.dma_semaphore, #tpu.memory_space<semaphore_mem>>) {add = true}
        %dma_wait3A_362 = arith.constant 0 : i32
        %dma_wait3A_363 = arith.constant 0 : i32
        %dma_wait3A_364 = tpu.memref_slice %arg8[%run_scoped3A_298, %dma_wait3A_362, %dma_wait3A_363] : memref<5x40x128xf32, #tpu.memory_space<vmem>> -> memref<1x40x128xf32, #tpu.memory_space<vmem>>
        %dma_wait3A_365 = tpu.memref_squeeze %dma_wait3A_364 : memref<1x40x128xf32, #tpu.memory_space<vmem>> -> memref<40x128xf32, #tpu.memory_space<vmem>>
        %dma_wait3A_366 = arith.constant 0 : i32
        %dma_wait3A_367 = tpu.memref_slice %arg7[%add3A_282, %dma_wait3A_366] : memref<250x40xi32, #tpu.memory_space<vmem>> -> memref<1x40xi32, #tpu.memory_space<vmem>>
        %dma_wait3A_368 = tpu.memref_squeeze %dma_wait3A_367 : memref<1x40xi32, #tpu.memory_space<vmem>> -> memref<40xi32, #tpu.memory_space<vmem>>
        %dma_wait3A_369 = arith.constant 0 : i32
        %dma_wait3A_370 = arith.constant 0 : i32
        %dma_wait3A_371 = tpu.memref_slice %arg9[%dma_wait3A_369, %dma_wait3A_370] : memref<10000x128xf32, #tpu.memory_space<vmem_shared>> -> memref<10000x128xf32, #tpu.memory_space<vmem_shared>>
        tpu.wait_indirect_dma semaphore(%run_scoped3A_351 : memref<!tpu.dma_semaphore, #tpu.memory_space<semaphore_mem>>) src(%dma_wait3A_365 : memref<40x128xf32, #tpu.memory_space<vmem>>) dst(%dma_wait3A_371 : memref<10000x128xf32, #tpu.memory_space<vmem_shared>>)
        tpu.yield
      }) : () -> ()
      %add3A_299 = arith.constant 5 : i32
      %add3A_300 = arith.addi %add3A_282, %add3A_299 : i32
      %dma_start3A_301 = arith.constant 3 : i32
      %dma_start3A_302 = arith.constant 3 : i32
      %dma_start3A_303 = arith.constant 0 : i32
      %dma_start3A_304 = arith.constant 0 : i32
      %dma_start3A_305 = tpu.memref_slice %arg8[%dma_start3A_301, %dma_start3A_303, %dma_start3A_304] : memref<5x40x128xf32, #tpu.memory_space<vmem>> -> memref<1x40x128xf32, #tpu.memory_space<vmem>>
      %dma_start3A_306 = tpu.memref_squeeze %dma_start3A_305 : memref<1x40x128xf32, #tpu.memory_space<vmem>> -> memref<40x128xf32, #tpu.memory_space<vmem>>
      %dma_start3A_307 = arith.constant 0 : i32
      %dma_start3A_308 = tpu.memref_slice %arg6[%add3A_300, %dma_start3A_307] : memref<250x40xi32, #tpu.memory_space<vmem>> -> memref<1x40xi32, #tpu.memory_space<vmem>>
      %dma_start3A_309 = tpu.memref_squeeze %dma_start3A_308 : memref<1x40xi32, #tpu.memory_space<vmem>> -> memref<40xi32, #tpu.memory_space<vmem>>
      %dma_start3A_310 = arith.constant 0 : i32
      %dma_start3A_311 = arith.constant 0 : i32
      %dma_start3A_312 = tpu.memref_slice %arg2[%dma_start3A_310, %dma_start3A_311] : memref<10000x128xf32, #tpu.memory_space<hbm>> -> memref<10000x128xf32, #tpu.memory_space<hbm>>
      %dma_start3A_313 = tpu.memref_slice %arg10[%dma_start3A_302] : memref<5x!tpu.dma_semaphore, #tpu.memory_space<semaphore_mem>> -> memref<1x!tpu.dma_semaphore, #tpu.memory_space<semaphore_mem>>
      %dma_start3A_314 = tpu.memref_squeeze %dma_start3A_313 : memref<1x!tpu.dma_semaphore, #tpu.memory_space<semaphore_mem>> -> memref<!tpu.dma_semaphore, #tpu.memory_space<semaphore_mem>>
      tpu.enqueue_indirect_dma source(%dma_start3A_312 : memref<10000x128xf32, #tpu.memory_space<hbm>>) target(%dma_start3A_306 : memref<40x128xf32, #tpu.memory_space<vmem>>) offsets(%dma_start3A_309 : memref<40xi32, #tpu.memory_space<vmem>>) semaphore(%dma_start3A_314 : memref<!tpu.dma_semaphore, #tpu.memory_space<semaphore_mem>>)
      %mul3A_315 = arith.constant 5 : i32
      %mul3A_316 = arith.muli %scan3A_170, %mul3A_315 : i32
      %add3A_317 = arith.constant 4 : i32
      %add3A_318 = arith.addi %mul3A_316, %add3A_317 : i32
      %dma_wait3A_319 = arith.constant 0 : i32
      %dma_wait3A_320 = arith.constant 4 : i32
      %dma_wait3A_321 = arith.constant 4 : i32
      %dma_wait3A_322 = arith.constant 0 : i32
      %dma_wait3A_323 = arith.constant 0 : i32
      %dma_wait3A_324 = tpu.memref_slice %arg8[%dma_wait3A_320, %dma_wait3A_322, %dma_wait3A_323] : memref<5x40x128xf32, #tpu.memory_space<vmem>> -> memref<1x40x128xf32, #tpu.memory_space<vmem>>
      %dma_wait3A_325 = tpu.memref_squeeze %dma_wait3A_324 : memref<1x40x128xf32, #tpu.memory_space<vmem>> -> memref<40x128xf32, #tpu.memory_space<vmem>>
      %dma_wait3A_326 = arith.constant 0 : i32
      %dma_wait3A_327 = tpu.memref_slice %arg6[%dma_wait3A_319, %dma_wait3A_326] : memref<250x40xi32, #tpu.memory_space<vmem>> -> memref<1x40xi32, #tpu.memory_space<vmem>>
      %dma_wait3A_328 = tpu.memref_squeeze %dma_wait3A_327 : memref<1x40xi32, #tpu.memory_space<vmem>> -> memref<40xi32, #tpu.memory_space<vmem>>
      %dma_wait3A_329 = arith.constant 0 : i32
      %dma_wait3A_330 = arith.constant 0 : i32
      %dma_wait3A_331 = tpu.memref_slice %arg2[%dma_wait3A_329, %dma_wait3A_330] : memref<10000x128xf32, #tpu.memory_space<hbm>> -> memref<10000x128xf32, #tpu.memory_space<hbm>>
      %dma_wait3A_332 = tpu.memref_slice %arg10[%dma_wait3A_321] : memref<5x!tpu.dma_semaphore, #tpu.memory_space<semaphore_mem>> -> memref<1x!tpu.dma_semaphore, #tpu.memory_space<semaphore_mem>>
      %dma_wait3A_333 = tpu.memref_squeeze %dma_wait3A_332 : memref<1x!tpu.dma_semaphore, #tpu.memory_space<semaphore_mem>> -> memref<!tpu.dma_semaphore, #tpu.memory_space<semaphore_mem>>
      tpu.wait_indirect_dma semaphore(%dma_wait3A_333 : memref<!tpu.dma_semaphore, #tpu.memory_space<semaphore_mem>>) src(%dma_wait3A_331 : memref<10000x128xf32, #tpu.memory_space<hbm>>) dst(%dma_wait3A_325 : memref<40x128xf32, #tpu.memory_space<vmem>>)
      %run_scoped3A_334 = arith.constant 4 : i32
      "tpu.region"() ({
        %run_scoped3A_351 = tpu.sem_alloc : memref<!tpu.dma_semaphore, #tpu.memory_space<semaphore_mem>>
        %dma_start3A_352 = arith.constant 0 : i32
        %dma_start3A_353 = arith.constant 0 : i32
        %dma_start3A_354 = tpu.memref_slice %arg8[%run_scoped3A_334, %dma_start3A_352, %dma_start3A_353] : memref<5x40x128xf32, #tpu.memory_space<vmem>> -> memref<1x40x128xf32, #tpu.memory_space<vmem>>
        %dma_start3A_355 = tpu.memref_squeeze %dma_start3A_354 : memref<1x40x128xf32, #tpu.memory_space<vmem>> -> memref<40x128xf32, #tpu.memory_space<vmem>>
        %dma_start3A_356 = arith.constant 0 : i32
        %dma_start3A_357 = tpu.memref_slice %arg7[%add3A_318, %dma_start3A_356] : memref<250x40xi32, #tpu.memory_space<vmem>> -> memref<1x40xi32, #tpu.memory_space<vmem>>
        %dma_start3A_358 = tpu.memref_squeeze %dma_start3A_357 : memref<1x40xi32, #tpu.memory_space<vmem>> -> memref<40xi32, #tpu.memory_space<vmem>>
        %dma_start3A_359 = arith.constant 0 : i32
        %dma_start3A_360 = arith.constant 0 : i32
        %dma_start3A_361 = tpu.memref_slice %arg9[%dma_start3A_359, %dma_start3A_360] : memref<10000x128xf32, #tpu.memory_space<vmem_shared>> -> memref<10000x128xf32, #tpu.memory_space<vmem_shared>>
        tpu.enqueue_indirect_dma source(%dma_start3A_355 : memref<40x128xf32, #tpu.memory_space<vmem>>) target(%dma_start3A_361 : memref<10000x128xf32, #tpu.memory_space<vmem_shared>>) offsets(%dma_start3A_358 : memref<40xi32, #tpu.memory_space<vmem>>) semaphore(%run_scoped3A_351 : memref<!tpu.dma_semaphore, #tpu.memory_space<semaphore_mem>>) {add = true}
        %dma_wait3A_362 = arith.constant 0 : i32
        %dma_wait3A_363 = arith.constant 0 : i32
        %dma_wait3A_364 = tpu.memref_slice %arg8[%run_scoped3A_334, %dma_wait3A_362, %dma_wait3A_363] : memref<5x40x128xf32, #tpu.memory_space<vmem>> -> memref<1x40x128xf32, #tpu.memory_space<vmem>>
        %dma_wait3A_365 = tpu.memref_squeeze %dma_wait3A_364 : memref<1x40x128xf32, #tpu.memory_space<vmem>> -> memref<40x128xf32, #tpu.memory_space<vmem>>
        %dma_wait3A_366 = arith.constant 0 : i32
        %dma_wait3A_367 = tpu.memref_slice %arg7[%add3A_318, %dma_wait3A_366] : memref<250x40xi32, #tpu.memory_space<vmem>> -> memref<1x40xi32, #tpu.memory_space<vmem>>
        %dma_wait3A_368 = tpu.memref_squeeze %dma_wait3A_367 : memref<1x40xi32, #tpu.memory_space<vmem>> -> memref<40xi32, #tpu.memory_space<vmem>>
        %dma_wait3A_369 = arith.constant 0 : i32
        %dma_wait3A_370 = arith.constant 0 : i32
        %dma_wait3A_371 = tpu.memref_slice %arg9[%dma_wait3A_369, %dma_wait3A_370] : memref<10000x128xf32, #tpu.memory_space<vmem_shared>> -> memref<10000x128xf32, #tpu.memory_space<vmem_shared>>
        tpu.wait_indirect_dma semaphore(%run_scoped3A_351 : memref<!tpu.dma_semaphore, #tpu.memory_space<semaphore_mem>>) src(%dma_wait3A_365 : memref<40x128xf32, #tpu.memory_space<vmem>>) dst(%dma_wait3A_371 : memref<10000x128xf32, #tpu.memory_space<vmem_shared>>)
        tpu.yield
      }) : () -> ()
      %add3A_335 = arith.constant 5 : i32
      %add3A_336 = arith.addi %add3A_318, %add3A_335 : i32
      %dma_start3A_337 = arith.constant 4 : i32
      %dma_start3A_338 = arith.constant 4 : i32
      %dma_start3A_339 = arith.constant 0 : i32
      %dma_start3A_340 = arith.constant 0 : i32
      %dma_start3A_341 = tpu.memref_slice %arg8[%dma_start3A_337, %dma_start3A_339, %dma_start3A_340] : memref<5x40x128xf32, #tpu.memory_space<vmem>> -> memref<1x40x128xf32, #tpu.memory_space<vmem>>
      %dma_start3A_342 = tpu.memref_squeeze %dma_start3A_341 : memref<1x40x128xf32, #tpu.memory_space<vmem>> -> memref<40x128xf32, #tpu.memory_space<vmem>>
      %dma_start3A_343 = arith.constant 0 : i32
      %dma_start3A_344 = tpu.memref_slice %arg6[%add3A_336, %dma_start3A_343] : memref<250x40xi32, #tpu.memory_space<vmem>> -> memref<1x40xi32, #tpu.memory_space<vmem>>
      %dma_start3A_345 = tpu.memref_squeeze %dma_start3A_344 : memref<1x40xi32, #tpu.memory_space<vmem>> -> memref<40xi32, #tpu.memory_space<vmem>>
      %dma_start3A_346 = arith.constant 0 : i32
      %dma_start3A_347 = arith.constant 0 : i32
      %dma_start3A_348 = tpu.memref_slice %arg2[%dma_start3A_346, %dma_start3A_347] : memref<10000x128xf32, #tpu.memory_space<hbm>> -> memref<10000x128xf32, #tpu.memory_space<hbm>>
      %dma_start3A_349 = tpu.memref_slice %arg10[%dma_start3A_338] : memref<5x!tpu.dma_semaphore, #tpu.memory_space<semaphore_mem>> -> memref<1x!tpu.dma_semaphore, #tpu.memory_space<semaphore_mem>>
      %dma_start3A_350 = tpu.memref_squeeze %dma_start3A_349 : memref<1x!tpu.dma_semaphore, #tpu.memory_space<semaphore_mem>> -> memref<!tpu.dma_semaphore, #tpu.memory_space<semaphore_mem>>
      tpu.enqueue_indirect_dma source(%dma_start3A_348 : memref<10000x128xf32, #tpu.memory_space<hbm>>) target(%dma_start3A_342 : memref<40x128xf32, #tpu.memory_space<vmem>>) offsets(%dma_start3A_345 : memref<40xi32, #tpu.memory_space<vmem>>) semaphore(%dma_start3A_350 : memref<!tpu.dma_semaphore, #tpu.memory_space<semaphore_mem>>)
    }
    %scan3A_82 = arith.constant 49 : i32
    %dma_wait3A = arith.constant 0 : i32
    %dma_wait3A_83 = arith.constant 0 : i32
    %dma_wait3A_84 = arith.constant 0 : i32
    %dma_wait3A_85 = arith.constant 0 : i32
    %dma_wait3A_86 = arith.constant 0 : i32
    %dma_wait3A_87 = tpu.memref_slice %arg8[%dma_wait3A_83, %dma_wait3A_85, %dma_wait3A_86] : memref<5x40x128xf32, #tpu.memory_space<vmem>> -> memref<1x40x128xf32, #tpu.memory_space<vmem>>
    %dma_wait3A_88 = tpu.memref_squeeze %dma_wait3A_87 : memref<1x40x128xf32, #tpu.memory_space<vmem>> -> memref<40x128xf32, #tpu.memory_space<vmem>>
    %dma_wait3A_89 = arith.constant 0 : i32
    %dma_wait3A_90 = tpu.memref_slice %arg6[%dma_wait3A, %dma_wait3A_89] : memref<250x40xi32, #tpu.memory_space<vmem>> -> memref<1x40xi32, #tpu.memory_space<vmem>>
    %dma_wait3A_91 = tpu.memref_squeeze %dma_wait3A_90 : memref<1x40xi32, #tpu.memory_space<vmem>> -> memref<40xi32, #tpu.memory_space<vmem>>
    %dma_wait3A_92 = arith.constant 0 : i32
    %dma_wait3A_93 = arith.constant 0 : i32
    %dma_wait3A_94 = tpu.memref_slice %arg2[%dma_wait3A_92, %dma_wait3A_93] : memref<10000x128xf32, #tpu.memory_space<hbm>> -> memref<10000x128xf32, #tpu.memory_space<hbm>>
    %dma_wait3A_95 = tpu.memref_slice %arg10[%dma_wait3A_84] : memref<5x!tpu.dma_semaphore, #tpu.memory_space<semaphore_mem>> -> memref<1x!tpu.dma_semaphore, #tpu.memory_space<semaphore_mem>>
    %dma_wait3A_96 = tpu.memref_squeeze %dma_wait3A_95 : memref<1x!tpu.dma_semaphore, #tpu.memory_space<semaphore_mem>> -> memref<!tpu.dma_semaphore, #tpu.memory_space<semaphore_mem>>
    tpu.wait_indirect_dma semaphore(%dma_wait3A_96 : memref<!tpu.dma_semaphore, #tpu.memory_space<semaphore_mem>>) src(%dma_wait3A_94 : memref<10000x128xf32, #tpu.memory_space<hbm>>) dst(%dma_wait3A_88 : memref<40x128xf32, #tpu.memory_space<vmem>>)
    %run_scoped3A_97 = arith.constant 0 : i32
    %run_scoped3A_98 = arith.constant 245 : i32
    "tpu.region"() ({
      %run_scoped3A_170 = tpu.sem_alloc : memref<!tpu.dma_semaphore, #tpu.memory_space<semaphore_mem>>
      %dma_start3A_171 = arith.constant 0 : i32
      %dma_start3A_172 = arith.constant 0 : i32
      %dma_start3A_173 = tpu.memref_slice %arg8[%run_scoped3A_97, %dma_start3A_171, %dma_start3A_172] : memref<5x40x128xf32, #tpu.memory_space<vmem>> -> memref<1x40x128xf32, #tpu.memory_space<vmem>>
      %dma_start3A_174 = tpu.memref_squeeze %dma_start3A_173 : memref<1x40x128xf32, #tpu.memory_space<vmem>> -> memref<40x128xf32, #tpu.memory_space<vmem>>
      %dma_start3A_175 = arith.constant 0 : i32
      %dma_start3A_176 = tpu.memref_slice %arg7[%run_scoped3A_98, %dma_start3A_175] : memref<250x40xi32, #tpu.memory_space<vmem>> -> memref<1x40xi32, #tpu.memory_space<vmem>>
      %dma_start3A_177 = tpu.memref_squeeze %dma_start3A_176 : memref<1x40xi32, #tpu.memory_space<vmem>> -> memref<40xi32, #tpu.memory_space<vmem>>
      %dma_start3A_178 = arith.constant 0 : i32
      %dma_start3A_179 = arith.constant 0 : i32
      %dma_start3A_180 = tpu.memref_slice %arg9[%dma_start3A_178, %dma_start3A_179] : memref<10000x128xf32, #tpu.memory_space<vmem_shared>> -> memref<10000x128xf32, #tpu.memory_space<vmem_shared>>
      tpu.enqueue_indirect_dma source(%dma_start3A_174 : memref<40x128xf32, #tpu.memory_space<vmem>>) target(%dma_start3A_180 : memref<10000x128xf32, #tpu.memory_space<vmem_shared>>) offsets(%dma_start3A_177 : memref<40xi32, #tpu.memory_space<vmem>>) semaphore(%run_scoped3A_170 : memref<!tpu.dma_semaphore, #tpu.memory_space<semaphore_mem>>) {add = true}
      %dma_wait3A_181 = arith.constant 0 : i32
      %dma_wait3A_182 = arith.constant 0 : i32
      %dma_wait3A_183 = tpu.memref_slice %arg8[%run_scoped3A_97, %dma_wait3A_181, %dma_wait3A_182] : memref<5x40x128xf32, #tpu.memory_space<vmem>> -> memref<1x40x128xf32, #tpu.memory_space<vmem>>
      %dma_wait3A_184 = tpu.memref_squeeze %dma_wait3A_183 : memref<1x40x128xf32, #tpu.memory_space<vmem>> -> memref<40x128xf32, #tpu.memory_space<vmem>>
      %dma_wait3A_185 = arith.constant 0 : i32
      %dma_wait3A_186 = tpu.memref_slice %arg7[%run_scoped3A_98, %dma_wait3A_185] : memref<250x40xi32, #tpu.memory_space<vmem>> -> memref<1x40xi32, #tpu.memory_space<vmem>>
      %dma_wait3A_187 = tpu.memref_squeeze %dma_wait3A_186 : memref<1x40xi32, #tpu.memory_space<vmem>> -> memref<40xi32, #tpu.memory_space<vmem>>
      %dma_wait3A_188 = arith.constant 0 : i32
      %dma_wait3A_189 = arith.constant 0 : i32
      %dma_wait3A_190 = tpu.memref_slice %arg9[%dma_wait3A_188, %dma_wait3A_189] : memref<10000x128xf32, #tpu.memory_space<vmem_shared>> -> memref<10000x128xf32, #tpu.memory_space<vmem_shared>>
      tpu.wait_indirect_dma semaphore(%run_scoped3A_170 : memref<!tpu.dma_semaphore, #tpu.memory_space<semaphore_mem>>) src(%dma_wait3A_184 : memref<40x128xf32, #tpu.memory_space<vmem>>) dst(%dma_wait3A_190 : memref<10000x128xf32, #tpu.memory_space<vmem_shared>>)
      tpu.yield
    }) : () -> ()
    %dma_wait3A_99 = arith.constant 0 : i32
    %dma_wait3A_100 = arith.constant 1 : i32
    %dma_wait3A_101 = arith.constant 1 : i32
    %dma_wait3A_102 = arith.constant 0 : i32
    %dma_wait3A_103 = arith.constant 0 : i32
    %dma_wait3A_104 = tpu.memref_slice %arg8[%dma_wait3A_100, %dma_wait3A_102, %dma_wait3A_103] : memref<5x40x128xf32, #tpu.memory_space<vmem>> -> memref<1x40x128xf32, #tpu.memory_space<vmem>>
    %dma_wait3A_105 = tpu.memref_squeeze %dma_wait3A_104 : memref<1x40x128xf32, #tpu.memory_space<vmem>> -> memref<40x128xf32, #tpu.memory_space<vmem>>
    %dma_wait3A_106 = arith.constant 0 : i32
    %dma_wait3A_107 = tpu.memref_slice %arg6[%dma_wait3A_99, %dma_wait3A_106] : memref<250x40xi32, #tpu.memory_space<vmem>> -> memref<1x40xi32, #tpu.memory_space<vmem>>
    %dma_wait3A_108 = tpu.memref_squeeze %dma_wait3A_107 : memref<1x40xi32, #tpu.memory_space<vmem>> -> memref<40xi32, #tpu.memory_space<vmem>>
    %dma_wait3A_109 = arith.constant 0 : i32
    %dma_wait3A_110 = arith.constant 0 : i32
    %dma_wait3A_111 = tpu.memref_slice %arg2[%dma_wait3A_109, %dma_wait3A_110] : memref<10000x128xf32, #tpu.memory_space<hbm>> -> memref<10000x128xf32, #tpu.memory_space<hbm>>
    %dma_wait3A_112 = tpu.memref_slice %arg10[%dma_wait3A_101] : memref<5x!tpu.dma_semaphore, #tpu.memory_space<semaphore_mem>> -> memref<1x!tpu.dma_semaphore, #tpu.memory_space<semaphore_mem>>
    %dma_wait3A_113 = tpu.memref_squeeze %dma_wait3A_112 : memref<1x!tpu.dma_semaphore, #tpu.memory_space<semaphore_mem>> -> memref<!tpu.dma_semaphore, #tpu.memory_space<semaphore_mem>>
    tpu.wait_indirect_dma semaphore(%dma_wait3A_113 : memref<!tpu.dma_semaphore, #tpu.memory_space<semaphore_mem>>) src(%dma_wait3A_111 : memref<10000x128xf32, #tpu.memory_space<hbm>>) dst(%dma_wait3A_105 : memref<40x128xf32, #tpu.memory_space<vmem>>)
    %run_scoped3A_114 = arith.constant 1 : i32
    %run_scoped3A_115 = arith.constant 246 : i32
    "tpu.region"() ({
      %run_scoped3A_170 = tpu.sem_alloc : memref<!tpu.dma_semaphore, #tpu.memory_space<semaphore_mem>>
      %dma_start3A_171 = arith.constant 0 : i32
      %dma_start3A_172 = arith.constant 0 : i32
      %dma_start3A_173 = tpu.memref_slice %arg8[%run_scoped3A_114, %dma_start3A_171, %dma_start3A_172] : memref<5x40x128xf32, #tpu.memory_space<vmem>> -> memref<1x40x128xf32, #tpu.memory_space<vmem>>
      %dma_start3A_174 = tpu.memref_squeeze %dma_start3A_173 : memref<1x40x128xf32, #tpu.memory_space<vmem>> -> memref<40x128xf32, #tpu.memory_space<vmem>>
      %dma_start3A_175 = arith.constant 0 : i32
      %dma_start3A_176 = tpu.memref_slice %arg7[%run_scoped3A_115, %dma_start3A_175] : memref<250x40xi32, #tpu.memory_space<vmem>> -> memref<1x40xi32, #tpu.memory_space<vmem>>
      %dma_start3A_177 = tpu.memref_squeeze %dma_start3A_176 : memref<1x40xi32, #tpu.memory_space<vmem>> -> memref<40xi32, #tpu.memory_space<vmem>>
      %dma_start3A_178 = arith.constant 0 : i32
      %dma_start3A_179 = arith.constant 0 : i32
      %dma_start3A_180 = tpu.memref_slice %arg9[%dma_start3A_178, %dma_start3A_179] : memref<10000x128xf32, #tpu.memory_space<vmem_shared>> -> memref<10000x128xf32, #tpu.memory_space<vmem_shared>>
      tpu.enqueue_indirect_dma source(%dma_start3A_174 : memref<40x128xf32, #tpu.memory_space<vmem>>) target(%dma_start3A_180 : memref<10000x128xf32, #tpu.memory_space<vmem_shared>>) offsets(%dma_start3A_177 : memref<40xi32, #tpu.memory_space<vmem>>) semaphore(%run_scoped3A_170 : memref<!tpu.dma_semaphore, #tpu.memory_space<semaphore_mem>>) {add = true}
      %dma_wait3A_181 = arith.constant 0 : i32
      %dma_wait3A_182 = arith.constant 0 : i32
      %dma_wait3A_183 = tpu.memref_slice %arg8[%run_scoped3A_114, %dma_wait3A_181, %dma_wait3A_182] : memref<5x40x128xf32, #tpu.memory_space<vmem>> -> memref<1x40x128xf32, #tpu.memory_space<vmem>>
      %dma_wait3A_184 = tpu.memref_squeeze %dma_wait3A_183 : memref<1x40x128xf32, #tpu.memory_space<vmem>> -> memref<40x128xf32, #tpu.memory_space<vmem>>
      %dma_wait3A_185 = arith.constant 0 : i32
      %dma_wait3A_186 = tpu.memref_slice %arg7[%run_scoped3A_115, %dma_wait3A_185] : memref<250x40xi32, #tpu.memory_space<vmem>> -> memref<1x40xi32, #tpu.memory_space<vmem>>
      %dma_wait3A_187 = tpu.memref_squeeze %dma_wait3A_186 : memref<1x40xi32, #tpu.memory_space<vmem>> -> memref<40xi32, #tpu.memory_space<vmem>>
      %dma_wait3A_188 = arith.constant 0 : i32
      %dma_wait3A_189 = arith.constant 0 : i32
      %dma_wait3A_190 = tpu.memref_slice %arg9[%dma_wait3A_188, %dma_wait3A_189] : memref<10000x128xf32, #tpu.memory_space<vmem_shared>> -> memref<10000x128xf32, #tpu.memory_space<vmem_shared>>
      tpu.wait_indirect_dma semaphore(%run_scoped3A_170 : memref<!tpu.dma_semaphore, #tpu.memory_space<semaphore_mem>>) src(%dma_wait3A_184 : memref<40x128xf32, #tpu.memory_space<vmem>>) dst(%dma_wait3A_190 : memref<10000x128xf32, #tpu.memory_space<vmem_shared>>)
      tpu.yield
    }) : () -> ()
    %dma_wait3A_116 = arith.constant 0 : i32
    %dma_wait3A_117 = arith.constant 2 : i32
    %dma_wait3A_118 = arith.constant 2 : i32
    %dma_wait3A_119 = arith.constant 0 : i32
    %dma_wait3A_120 = arith.constant 0 : i32
    %dma_wait3A_121 = tpu.memref_slice %arg8[%dma_wait3A_117, %dma_wait3A_119, %dma_wait3A_120] : memref<5x40x128xf32, #tpu.memory_space<vmem>> -> memref<1x40x128xf32, #tpu.memory_space<vmem>>
    %dma_wait3A_122 = tpu.memref_squeeze %dma_wait3A_121 : memref<1x40x128xf32, #tpu.memory_space<vmem>> -> memref<40x128xf32, #tpu.memory_space<vmem>>
    %dma_wait3A_123 = arith.constant 0 : i32
    %dma_wait3A_124 = tpu.memref_slice %arg6[%dma_wait3A_116, %dma_wait3A_123] : memref<250x40xi32, #tpu.memory_space<vmem>> -> memref<1x40xi32, #tpu.memory_space<vmem>>
    %dma_wait3A_125 = tpu.memref_squeeze %dma_wait3A_124 : memref<1x40xi32, #tpu.memory_space<vmem>> -> memref<40xi32, #tpu.memory_space<vmem>>
    %dma_wait3A_126 = arith.constant 0 : i32
    %dma_wait3A_127 = arith.constant 0 : i32
    %dma_wait3A_128 = tpu.memref_slice %arg2[%dma_wait3A_126, %dma_wait3A_127] : memref<10000x128xf32, #tpu.memory_space<hbm>> -> memref<10000x128xf32, #tpu.memory_space<hbm>>
    %dma_wait3A_129 = tpu.memref_slice %arg10[%dma_wait3A_118] : memref<5x!tpu.dma_semaphore, #tpu.memory_space<semaphore_mem>> -> memref<1x!tpu.dma_semaphore, #tpu.memory_space<semaphore_mem>>
    %dma_wait3A_130 = tpu.memref_squeeze %dma_wait3A_129 : memref<1x!tpu.dma_semaphore, #tpu.memory_space<semaphore_mem>> -> memref<!tpu.dma_semaphore, #tpu.memory_space<semaphore_mem>>
    tpu.wait_indirect_dma semaphore(%dma_wait3A_130 : memref<!tpu.dma_semaphore, #tpu.memory_space<semaphore_mem>>) src(%dma_wait3A_128 : memref<10000x128xf32, #tpu.memory_space<hbm>>) dst(%dma_wait3A_122 : memref<40x128xf32, #tpu.memory_space<vmem>>)
    %run_scoped3A_131 = arith.constant 2 : i32
    %run_scoped3A_132 = arith.constant 247 : i32
    "tpu.region"() ({
      %run_scoped3A_170 = tpu.sem_alloc : memref<!tpu.dma_semaphore, #tpu.memory_space<semaphore_mem>>
      %dma_start3A_171 = arith.constant 0 : i32
      %dma_start3A_172 = arith.constant 0 : i32
      %dma_start3A_173 = tpu.memref_slice %arg8[%run_scoped3A_131, %dma_start3A_171, %dma_start3A_172] : memref<5x40x128xf32, #tpu.memory_space<vmem>> -> memref<1x40x128xf32, #tpu.memory_space<vmem>>
      %dma_start3A_174 = tpu.memref_squeeze %dma_start3A_173 : memref<1x40x128xf32, #tpu.memory_space<vmem>> -> memref<40x128xf32, #tpu.memory_space<vmem>>
      %dma_start3A_175 = arith.constant 0 : i32
      %dma_start3A_176 = tpu.memref_slice %arg7[%run_scoped3A_132, %dma_start3A_175] : memref<250x40xi32, #tpu.memory_space<vmem>> -> memref<1x40xi32, #tpu.memory_space<vmem>>
      %dma_start3A_177 = tpu.memref_squeeze %dma_start3A_176 : memref<1x40xi32, #tpu.memory_space<vmem>> -> memref<40xi32, #tpu.memory_space<vmem>>
      %dma_start3A_178 = arith.constant 0 : i32
      %dma_start3A_179 = arith.constant 0 : i32
      %dma_start3A_180 = tpu.memref_slice %arg9[%dma_start3A_178, %dma_start3A_179] : memref<10000x128xf32, #tpu.memory_space<vmem_shared>> -> memref<10000x128xf32, #tpu.memory_space<vmem_shared>>
      tpu.enqueue_indirect_dma source(%dma_start3A_174 : memref<40x128xf32, #tpu.memory_space<vmem>>) target(%dma_start3A_180 : memref<10000x128xf32, #tpu.memory_space<vmem_shared>>) offsets(%dma_start3A_177 : memref<40xi32, #tpu.memory_space<vmem>>) semaphore(%run_scoped3A_170 : memref<!tpu.dma_semaphore, #tpu.memory_space<semaphore_mem>>) {add = true}
      %dma_wait3A_181 = arith.constant 0 : i32
      %dma_wait3A_182 = arith.constant 0 : i32
      %dma_wait3A_183 = tpu.memref_slice %arg8[%run_scoped3A_131, %dma_wait3A_181, %dma_wait3A_182] : memref<5x40x128xf32, #tpu.memory_space<vmem>> -> memref<1x40x128xf32, #tpu.memory_space<vmem>>
      %dma_wait3A_184 = tpu.memref_squeeze %dma_wait3A_183 : memref<1x40x128xf32, #tpu.memory_space<vmem>> -> memref<40x128xf32, #tpu.memory_space<vmem>>
      %dma_wait3A_185 = arith.constant 0 : i32
      %dma_wait3A_186 = tpu.memref_slice %arg7[%run_scoped3A_132, %dma_wait3A_185] : memref<250x40xi32, #tpu.memory_space<vmem>> -> memref<1x40xi32, #tpu.memory_space<vmem>>
      %dma_wait3A_187 = tpu.memref_squeeze %dma_wait3A_186 : memref<1x40xi32, #tpu.memory_space<vmem>> -> memref<40xi32, #tpu.memory_space<vmem>>
      %dma_wait3A_188 = arith.constant 0 : i32
      %dma_wait3A_189 = arith.constant 0 : i32
      %dma_wait3A_190 = tpu.memref_slice %arg9[%dma_wait3A_188, %dma_wait3A_189] : memref<10000x128xf32, #tpu.memory_space<vmem_shared>> -> memref<10000x128xf32, #tpu.memory_space<vmem_shared>>
      tpu.wait_indirect_dma semaphore(%run_scoped3A_170 : memref<!tpu.dma_semaphore, #tpu.memory_space<semaphore_mem>>) src(%dma_wait3A_184 : memref<40x128xf32, #tpu.memory_space<vmem>>) dst(%dma_wait3A_190 : memref<10000x128xf32, #tpu.memory_space<vmem_shared>>)
      tpu.yield
    }) : () -> ()
    %dma_wait3A_133 = arith.constant 0 : i32
    %dma_wait3A_134 = arith.constant 3 : i32
    %dma_wait3A_135 = arith.constant 3 : i32
    %dma_wait3A_136 = arith.constant 0 : i32
    %dma_wait3A_137 = arith.constant 0 : i32
    %dma_wait3A_138 = tpu.memref_slice %arg8[%dma_wait3A_134, %dma_wait3A_136, %dma_wait3A_137] : memref<5x40x128xf32, #tpu.memory_space<vmem>> -> memref<1x40x128xf32, #tpu.memory_space<vmem>>
    %dma_wait3A_139 = tpu.memref_squeeze %dma_wait3A_138 : memref<1x40x128xf32, #tpu.memory_space<vmem>> -> memref<40x128xf32, #tpu.memory_space<vmem>>
    %dma_wait3A_140 = arith.constant 0 : i32
    %dma_wait3A_141 = tpu.memref_slice %arg6[%dma_wait3A_133, %dma_wait3A_140] : memref<250x40xi32, #tpu.memory_space<vmem>> -> memref<1x40xi32, #tpu.memory_space<vmem>>
    %dma_wait3A_142 = tpu.memref_squeeze %dma_wait3A_141 : memref<1x40xi32, #tpu.memory_space<vmem>> -> memref<40xi32, #tpu.memory_space<vmem>>
    %dma_wait3A_143 = arith.constant 0 : i32
    %dma_wait3A_144 = arith.constant 0 : i32
    %dma_wait3A_145 = tpu.memref_slice %arg2[%dma_wait3A_143, %dma_wait3A_144] : memref<10000x128xf32, #tpu.memory_space<hbm>> -> memref<10000x128xf32, #tpu.memory_space<hbm>>
    %dma_wait3A_146 = tpu.memref_slice %arg10[%dma_wait3A_135] : memref<5x!tpu.dma_semaphore, #tpu.memory_space<semaphore_mem>> -> memref<1x!tpu.dma_semaphore, #tpu.memory_space<semaphore_mem>>
    %dma_wait3A_147 = tpu.memref_squeeze %dma_wait3A_146 : memref<1x!tpu.dma_semaphore, #tpu.memory_space<semaphore_mem>> -> memref<!tpu.dma_semaphore, #tpu.memory_space<semaphore_mem>>
    tpu.wait_indirect_dma semaphore(%dma_wait3A_147 : memref<!tpu.dma_semaphore, #tpu.memory_space<semaphore_mem>>) src(%dma_wait3A_145 : memref<10000x128xf32, #tpu.memory_space<hbm>>) dst(%dma_wait3A_139 : memref<40x128xf32, #tpu.memory_space<vmem>>)
    %run_scoped3A_148 = arith.constant 3 : i32
    %run_scoped3A_149 = arith.constant 248 : i32
    "tpu.region"() ({
      %run_scoped3A_170 = tpu.sem_alloc : memref<!tpu.dma_semaphore, #tpu.memory_space<semaphore_mem>>
      %dma_start3A_171 = arith.constant 0 : i32
      %dma_start3A_172 = arith.constant 0 : i32
      %dma_start3A_173 = tpu.memref_slice %arg8[%run_scoped3A_148, %dma_start3A_171, %dma_start3A_172] : memref<5x40x128xf32, #tpu.memory_space<vmem>> -> memref<1x40x128xf32, #tpu.memory_space<vmem>>
      %dma_start3A_174 = tpu.memref_squeeze %dma_start3A_173 : memref<1x40x128xf32, #tpu.memory_space<vmem>> -> memref<40x128xf32, #tpu.memory_space<vmem>>
      %dma_start3A_175 = arith.constant 0 : i32
      %dma_start3A_176 = tpu.memref_slice %arg7[%run_scoped3A_149, %dma_start3A_175] : memref<250x40xi32, #tpu.memory_space<vmem>> -> memref<1x40xi32, #tpu.memory_space<vmem>>
      %dma_start3A_177 = tpu.memref_squeeze %dma_start3A_176 : memref<1x40xi32, #tpu.memory_space<vmem>> -> memref<40xi32, #tpu.memory_space<vmem>>
      %dma_start3A_178 = arith.constant 0 : i32
      %dma_start3A_179 = arith.constant 0 : i32
      %dma_start3A_180 = tpu.memref_slice %arg9[%dma_start3A_178, %dma_start3A_179] : memref<10000x128xf32, #tpu.memory_space<vmem_shared>> -> memref<10000x128xf32, #tpu.memory_space<vmem_shared>>
      tpu.enqueue_indirect_dma source(%dma_start3A_174 : memref<40x128xf32, #tpu.memory_space<vmem>>) target(%dma_start3A_180 : memref<10000x128xf32, #tpu.memory_space<vmem_shared>>) offsets(%dma_start3A_177 : memref<40xi32, #tpu.memory_space<vmem>>) semaphore(%run_scoped3A_170 : memref<!tpu.dma_semaphore, #tpu.memory_space<semaphore_mem>>) {add = true}
      %dma_wait3A_181 = arith.constant 0 : i32
      %dma_wait3A_182 = arith.constant 0 : i32
      %dma_wait3A_183 = tpu.memref_slice %arg8[%run_scoped3A_148, %dma_wait3A_181, %dma_wait3A_182] : memref<5x40x128xf32, #tpu.memory_space<vmem>> -> memref<1x40x128xf32, #tpu.memory_space<vmem>>
      %dma_wait3A_184 = tpu.memref_squeeze %dma_wait3A_183 : memref<1x40x128xf32, #tpu.memory_space<vmem>> -> memref<40x128xf32, #tpu.memory_space<vmem>>
      %dma_wait3A_185 = arith.constant 0 : i32
      %dma_wait3A_186 = tpu.memref_slice %arg7[%run_scoped3A_149, %dma_wait3A_185] : memref<250x40xi32, #tpu.memory_space<vmem>> -> memref<1x40xi32, #tpu.memory_space<vmem>>
      %dma_wait3A_187 = tpu.memref_squeeze %dma_wait3A_186 : memref<1x40xi32, #tpu.memory_space<vmem>> -> memref<40xi32, #tpu.memory_space<vmem>>
      %dma_wait3A_188 = arith.constant 0 : i32
      %dma_wait3A_189 = arith.constant 0 : i32
      %dma_wait3A_190 = tpu.memref_slice %arg9[%dma_wait3A_188, %dma_wait3A_189] : memref<10000x128xf32, #tpu.memory_space<vmem_shared>> -> memref<10000x128xf32, #tpu.memory_space<vmem_shared>>
      tpu.wait_indirect_dma semaphore(%run_scoped3A_170 : memref<!tpu.dma_semaphore, #tpu.memory_space<semaphore_mem>>) src(%dma_wait3A_184 : memref<40x128xf32, #tpu.memory_space<vmem>>) dst(%dma_wait3A_190 : memref<10000x128xf32, #tpu.memory_space<vmem_shared>>)
      tpu.yield
    }) : () -> ()
    %dma_wait3A_150 = arith.constant 0 : i32
    %dma_wait3A_151 = arith.constant 4 : i32
    %dma_wait3A_152 = arith.constant 4 : i32
    %dma_wait3A_153 = arith.constant 0 : i32
    %dma_wait3A_154 = arith.constant 0 : i32
    %dma_wait3A_155 = tpu.memref_slice %arg8[%dma_wait3A_151, %dma_wait3A_153, %dma_wait3A_154] : memref<5x40x128xf32, #tpu.memory_space<vmem>> -> memref<1x40x128xf32, #tpu.memory_space<vmem>>
    %dma_wait3A_156 = tpu.memref_squeeze %dma_wait3A_155 : memref<1x40x128xf32, #tpu.memory_space<vmem>> -> memref<40x128xf32, #tpu.memory_space<vmem>>
    %dma_wait3A_157 = arith.constant 0 : i32
    %dma_wait3A_158 = tpu.memref_slice %arg6[%dma_wait3A_150, %dma_wait3A_157] : memref<250x40xi32, #tpu.memory_space<vmem>> -> memref<1x40xi32, #tpu.memory_space<vmem>>
    %dma_wait3A_159 = tpu.memref_squeeze %dma_wait3A_158 : memref<1x40xi32, #tpu.memory_space<vmem>> -> memref<40xi32, #tpu.memory_space<vmem>>
    %dma_wait3A_160 = arith.constant 0 : i32
    %dma_wait3A_161 = arith.constant 0 : i32
    %dma_wait3A_162 = tpu.memref_slice %arg2[%dma_wait3A_160, %dma_wait3A_161] : memref<10000x128xf32, #tpu.memory_space<hbm>> -> memref<10000x128xf32, #tpu.memory_space<hbm>>
    %dma_wait3A_163 = tpu.memref_slice %arg10[%dma_wait3A_152] : memref<5x!tpu.dma_semaphore, #tpu.memory_space<semaphore_mem>> -> memref<1x!tpu.dma_semaphore, #tpu.memory_space<semaphore_mem>>
    %dma_wait3A_164 = tpu.memref_squeeze %dma_wait3A_163 : memref<1x!tpu.dma_semaphore, #tpu.memory_space<semaphore_mem>> -> memref<!tpu.dma_semaphore, #tpu.memory_space<semaphore_mem>>
    tpu.wait_indirect_dma semaphore(%dma_wait3A_164 : memref<!tpu.dma_semaphore, #tpu.memory_space<semaphore_mem>>) src(%dma_wait3A_162 : memref<10000x128xf32, #tpu.memory_space<hbm>>) dst(%dma_wait3A_156 : memref<40x128xf32, #tpu.memory_space<vmem>>)
    %run_scoped3A_165 = arith.constant 4 : i32
    %run_scoped3A_166 = arith.constant 249 : i32
    "tpu.region"() ({
      %run_scoped3A_170 = tpu.sem_alloc : memref<!tpu.dma_semaphore, #tpu.memory_space<semaphore_mem>>
      %dma_start3A_171 = arith.constant 0 : i32
      %dma_start3A_172 = arith.constant 0 : i32
      %dma_start3A_173 = tpu.memref_slice %arg8[%run_scoped3A_165, %dma_start3A_171, %dma_start3A_172] : memref<5x40x128xf32, #tpu.memory_space<vmem>> -> memref<1x40x128xf32, #tpu.memory_space<vmem>>
      %dma_start3A_174 = tpu.memref_squeeze %dma_start3A_173 : memref<1x40x128xf32, #tpu.memory_space<vmem>> -> memref<40x128xf32, #tpu.memory_space<vmem>>
      %dma_start3A_175 = arith.constant 0 : i32
      %dma_start3A_176 = tpu.memref_slice %arg7[%run_scoped3A_166, %dma_start3A_175] : memref<250x40xi32, #tpu.memory_space<vmem>> -> memref<1x40xi32, #tpu.memory_space<vmem>>
      %dma_start3A_177 = tpu.memref_squeeze %dma_start3A_176 : memref<1x40xi32, #tpu.memory_space<vmem>> -> memref<40xi32, #tpu.memory_space<vmem>>
      %dma_start3A_178 = arith.constant 0 : i32
      %dma_start3A_179 = arith.constant 0 : i32
      %dma_start3A_180 = tpu.memref_slice %arg9[%dma_start3A_178, %dma_start3A_179] : memref<10000x128xf32, #tpu.memory_space<vmem_shared>> -> memref<10000x128xf32, #tpu.memory_space<vmem_shared>>
      tpu.enqueue_indirect_dma source(%dma_start3A_174 : memref<40x128xf32, #tpu.memory_space<vmem>>) target(%dma_start3A_180 : memref<10000x128xf32, #tpu.memory_space<vmem_shared>>) offsets(%dma_start3A_177 : memref<40xi32, #tpu.memory_space<vmem>>) semaphore(%run_scoped3A_170 : memref<!tpu.dma_semaphore, #tpu.memory_space<semaphore_mem>>) {add = true}
      %dma_wait3A_181 = arith.constant 0 : i32
      %dma_wait3A_182 = arith.constant 0 : i32
      %dma_wait3A_183 = tpu.memref_slice %arg8[%run_scoped3A_165, %dma_wait3A_181, %dma_wait3A_182] : memref<5x40x128xf32, #tpu.memory_space<vmem>> -> memref<1x40x128xf32, #tpu.memory_space<vmem>>
      %dma_wait3A_184 = tpu.memref_squeeze %dma_wait3A_183 : memref<1x40x128xf32, #tpu.memory_space<vmem>> -> memref<40x128xf32, #tpu.memory_space<vmem>>
      %dma_wait3A_185 = arith.constant 0 : i32
      %dma_wait3A_186 = tpu.memref_slice %arg7[%run_scoped3A_166, %dma_wait3A_185] : memref<250x40xi32, #tpu.memory_space<vmem>> -> memref<1x40xi32, #tpu.memory_space<vmem>>
      %dma_wait3A_187 = tpu.memref_squeeze %dma_wait3A_186 : memref<1x40xi32, #tpu.memory_space<vmem>> -> memref<40xi32, #tpu.memory_space<vmem>>
      %dma_wait3A_188 = arith.constant 0 : i32
      %dma_wait3A_189 = arith.constant 0 : i32
      %dma_wait3A_190 = tpu.memref_slice %arg9[%dma_wait3A_188, %dma_wait3A_189] : memref<10000x128xf32, #tpu.memory_space<vmem_shared>> -> memref<10000x128xf32, #tpu.memory_space<vmem_shared>>
      tpu.wait_indirect_dma semaphore(%run_scoped3A_170 : memref<!tpu.dma_semaphore, #tpu.memory_space<semaphore_mem>>) src(%dma_wait3A_184 : memref<40x128xf32, #tpu.memory_space<vmem>>) dst(%dma_wait3A_190 : memref<10000x128xf32, #tpu.memory_space<vmem_shared>>)
      tpu.yield
    }) : () -> ()
    %barrier3A_167 = arith.constant 0 : index
    tpu.barrier barrier_id(%barrier3A_167)
    %mul3A_168 = arith.constant 625 : i32
    %mul3A_169 = arith.muli %arg1, %mul3A_168 : i32
    "tpu.region"() ({
      %run_scoped3A_170 = tpu.sem_alloc : memref<!tpu.dma_semaphore, #tpu.memory_space<semaphore_mem>>
      %dma_start3A_171 = arith.constant 0 : i32
      %dma_start3A_172 = arith.constant 0 : i32
      %dma_start3A_173 = tpu.memref_slice %arg5[%arg0, %arg1, %dma_start3A_171, %dma_start3A_172] : memref<2x16x625x128xf32, #tpu.memory_space<hbm>> -> memref<1x1x625x128xf32, #tpu.memory_space<hbm>>
      %dma_start3A_174 = tpu.memref_squeeze %dma_start3A_173 : memref<1x1x625x128xf32, #tpu.memory_space<hbm>> -> memref<625x128xf32, #tpu.memory_space<hbm>>
      %dma_start3A_175 = arith.constant 0 : i32
      %dma_start3A_176 = tpu.memref_slice %arg9[%mul3A_169, %dma_start3A_175] : memref<10000x128xf32, #tpu.memory_space<vmem_shared>> -> memref<625x128xf32, #tpu.memory_space<vmem_shared>>
      tpu.enqueue_dma source(%dma_start3A_176 : memref<625x128xf32, #tpu.memory_space<vmem_shared>>) target(%dma_start3A_174 : memref<625x128xf32, #tpu.memory_space<hbm>>) target_semaphore(%run_scoped3A_170 : memref<!tpu.dma_semaphore, #tpu.memory_space<semaphore_mem>>)
      %dma_wait3A_177 = arith.constant 0 : i32
      %dma_wait3A_178 = arith.constant 0 : i32
      %dma_wait3A_179 = tpu.memref_slice %arg5[%arg0, %arg1, %dma_wait3A_177, %dma_wait3A_178] : memref<2x16x625x128xf32, #tpu.memory_space<hbm>> -> memref<1x1x625x128xf32, #tpu.memory_space<hbm>>
      %dma_wait3A_180 = tpu.memref_squeeze %dma_wait3A_179 : memref<1x1x625x128xf32, #tpu.memory_space<hbm>> -> memref<625x128xf32, #tpu.memory_space<hbm>>
      %dma_wait3A_181 = arith.constant 0 : i32
      %dma_wait3A_182 = tpu.memref_slice %arg9[%mul3A_169, %dma_wait3A_181] : memref<10000x128xf32, #tpu.memory_space<vmem_shared>> -> memref<625x128xf32, #tpu.memory_space<vmem_shared>>
      tpu.wait_dma2 semaphore(%run_scoped3A_170 : memref<!tpu.dma_semaphore, #tpu.memory_space<semaphore_mem>>) src(%dma_wait3A_182 : memref<625x128xf32, #tpu.memory_space<vmem_shared>>) dst(%dma_wait3A_180 : memref<625x128xf32, #tpu.memory_space<hbm>>)
      tpu.yield
    }) : () -> ()
    return
  }
}

module attributes {stable_mosaic.version = 14 : i64} {
  func.func @_scale_body(%arg0: i32, %arg1: memref<5000x128xf32, #tpu.memory_space<vmem>>, %arg2: memref<128x128xf32, #tpu.memory_space<vmem>>, %arg3: memref<2x5000x8xf32, #tpu.memory_space<vmem>>, %arg4: memref<5000x128xf32, #tpu.memory_space<vmem>>) attributes {dimension_semantics = [#tpu.dimension_semantics<arbitrary>], iteration_bounds = array<i64: 2>, scalar_prefetch = 0 : i64, scratch_operands = 0 : i64, tpu.core_type = #tpu.core_type<tc>, window_params = [{transform_indices = @transform_0, window_bounds = array<i64: 5000, 128>}, {pipeline_mode = #tpu.pipeline_mode<synchronous>, transform_indices = @transform_1, window_bounds = array<i64: 128, 128>}, {transform_indices = @transform_2, window_bounds = array<i64: 2, 5000, 8>}, {transform_indices = @transform_3, window_bounds = array<i64: 5000, 128>}]} {
    %get3A = arith.constant 0 : index
    %get3A_0 = arith.constant 0 : index
    %get3A_1 = arith.constant 0 : index
    %get3A_2 = vector.load %arg3[%get3A, %get3A_0, %get3A_1] : memref<2x5000x8xf32, #tpu.memory_space<vmem>>, vector<1x5000x1xf32>
    %get3A_3 = vector.shape_cast %get3A_2 : vector<1x5000x1xf32> to vector<5000xf32>
    %get3A_4 = arith.constant 1 : index
    %get3A_5 = arith.constant 0 : index
    %get3A_6 = arith.constant 0 : index
    %get3A_7 = vector.load %arg3[%get3A_4, %get3A_5, %get3A_6] : memref<2x5000x8xf32, #tpu.memory_space<vmem>>, vector<1x5000x1xf32>
    %get3A_8 = vector.shape_cast %get3A_7 : vector<1x5000x1xf32> to vector<5000xf32>
    %add3A = arith.addf %get3A_3, %get3A_8 : vector<5000xf32>
    %max3A = arith.constant 1.000000e+00 : f32
    %max3A_9 = vector.broadcast %max3A : f32 to vector<5000xf32>
    %max3A_10 = arith.maximumf %add3A, %max3A_9 : vector<5000xf32>
    %rsqrt3A = math.rsqrt %max3A_10 : vector<5000xf32>
    %get3A_11 = arith.constant 0 : index
    %get3A_12 = arith.constant 0 : index
    %get3A_13 = vector.load %arg1[%get3A_11, %get3A_12] : memref<5000x128xf32, #tpu.memory_space<vmem>>, vector<5000x128xf32>
    %get3A_14 = arith.constant 0 : index
    %get3A_15 = arith.constant 0 : index
    %get3A_16 = vector.load %arg2[%get3A_14, %get3A_15] : memref<128x128xf32, #tpu.memory_space<vmem>>, vector<128x128xf32>
    %dot_general3A = arith.constant dense<0.000000e+00> : vector<5000x128xf32>
    %dot_general3A_17 = tpu.matmul %get3A_13, %get3A_16, %dot_general3A {dimension_numbers = #tpu.dot_dimension_numbers<[1], [0], [0], [1], [0, 0, 1, 1], [], []>, transpose_lhs_hint = false} : vector<5000x128xf32>, vector<128x128xf32>, vector<5000x128xf32> -> vector<5000x128xf32>
    %broadcast_in_dim3A = vector.shape_cast %rsqrt3A : vector<5000xf32> to vector<5000x1xf32>
    %mul3A = vector.broadcast %broadcast_in_dim3A : vector<5000x1xf32> to vector<5000x128xf32>
    %mul3A_18 = arith.mulf %dot_general3A_17, %mul3A : vector<5000x128xf32>
    %swap3A = arith.constant 0 : index
    %swap3A_19 = arith.constant 0 : index
    %swap3A_20 = vector.load %arg4[%swap3A, %swap3A_19] : memref<5000x128xf32, #tpu.memory_space<vmem>>, vector<5000x128xf32>
    tpu.vector_store %arg4[%swap3A, %swap3A_19], %mul3A_18 {strides = array<i32>} : memref<5000x128xf32, #tpu.memory_space<vmem>>, vector<5000x128xf32>,
    return
  }
  func.func @transform_0(%arg0: i32) -> (i32, i32) {
    %c0_i32 = arith.constant 0 : i32
    %c0_i32_0 = arith.constant 0 : i32
    return %arg0, %c0_i32 : i32, i32
  }
  func.func @transform_1(%arg0: i32) -> (i32, i32) {
    %c0_i32 = arith.constant 0 : i32
    %c0_i32_0 = arith.constant 0 : i32
    %c0_i32_1 = arith.constant 0 : i32
    return %c0_i32, %c0_i32_0 : i32, i32
  }
  func.func @transform_2(%arg0: i32) -> (i32, i32, i32) {
    %c0_i32 = arith.constant 0 : i32
    %c0_i32_0 = arith.constant 0 : i32
    %c0_i32_1 = arith.constant 0 : i32
    return %c0_i32, %arg0, %c0_i32_0 : i32, i32, i32
  }
  func.func @transform_3(%arg0: i32) -> (i32, i32) {
    %c0_i32 = arith.constant 0 : i32
    %c0_i32_0 = arith.constant 0 : i32
    return %arg0, %c0_i32 : i32, i32
  }
}

module attributes {stable_mosaic.version = 14 : i64} {
  func.func @_mlp_body(%arg0: i32, %arg1: memref<2x5000x128xf32, #tpu.memory_space<vmem>>, %arg2: memref<2x5000x8xf32, #tpu.memory_space<vmem>>, %arg3: memref<1x128xf32, #tpu.memory_space<vmem>>, %arg4: memref<128x128xf32, #tpu.memory_space<vmem>>, %arg5: memref<1x128xf32, #tpu.memory_space<vmem>>, %arg6: memref<128x128xf32, #tpu.memory_space<vmem>>, %arg7: memref<1x128xf32, #tpu.memory_space<vmem>>, %arg8: memref<128x128xf32, #tpu.memory_space<vmem>>, %arg9: memref<1x128xf32, #tpu.memory_space<vmem>>, %arg10: memref<5000x128xf32, #tpu.memory_space<vmem>>) attributes {dimension_semantics = [#tpu.dimension_semantics<arbitrary>], iteration_bounds = array<i64: 2>, scalar_prefetch = 0 : i64, scratch_operands = 0 : i64, tpu.core_type = #tpu.core_type<tc>, window_params = [{transform_indices = @transform_0, window_bounds = array<i64: 2, 5000, 128>}, {transform_indices = @transform_1, window_bounds = array<i64: 2, 5000, 8>}, {pipeline_mode = #tpu.pipeline_mode<synchronous>, transform_indices = @transform_2, window_bounds = array<i64: 1, 128>}, {pipeline_mode = #tpu.pipeline_mode<synchronous>, transform_indices = @transform_3, window_bounds = array<i64: 128, 128>}, {pipeline_mode = #tpu.pipeline_mode<synchronous>, transform_indices = @transform_4, window_bounds = array<i64: 1, 128>}, {pipeline_mode = #tpu.pipeline_mode<synchronous>, transform_indices = @transform_5, window_bounds = array<i64: 128, 128>}, {pipeline_mode = #tpu.pipeline_mode<synchronous>, transform_indices = @transform_6, window_bounds = array<i64: 1, 128>}, {pipeline_mode = #tpu.pipeline_mode<synchronous>, transform_indices = @transform_7, window_bounds = array<i64: 128, 128>}, {pipeline_mode = #tpu.pipeline_mode<synchronous>, transform_indices = @transform_8, window_bounds = array<i64: 1, 128>}, {transform_indices = @transform_9, window_bounds = array<i64: 5000, 128>}]} {
    %get3A = arith.constant 0 : index
    %get3A_0 = arith.constant 0 : index
    %get3A_1 = arith.constant 0 : index
    %get3A_2 = vector.load %arg2[%get3A, %get3A_0, %get3A_1] : memref<2x5000x8xf32, #tpu.memory_space<vmem>>, vector<1x5000x1xf32>
    %get3A_3 = vector.shape_cast %get3A_2 : vector<1x5000x1xf32> to vector<5000xf32>
    %get3A_4 = arith.constant 1 : index
    %get3A_5 = arith.constant 0 : index
    %get3A_6 = arith.constant 0 : index
    %get3A_7 = vector.load %arg2[%get3A_4, %get3A_5, %get3A_6] : memref<2x5000x8xf32, #tpu.memory_space<vmem>>, vector<1x5000x1xf32>
    %get3A_8 = vector.shape_cast %get3A_7 : vector<1x5000x1xf32> to vector<5000xf32>
    %add3A = arith.addf %get3A_3, %get3A_8 : vector<5000xf32>
    %max3A = arith.constant 1.000000e+00 : f32
    %max3A_9 = vector.broadcast %max3A : f32 to vector<5000xf32>
    %max3A_10 = arith.maximumf %add3A, %max3A_9 : vector<5000xf32>
    %rsqrt3A = math.rsqrt %max3A_10 : vector<5000xf32>
    %get3A_11 = arith.constant 0 : index
    %get3A_12 = arith.constant 0 : index
    %get3A_13 = arith.constant 0 : index
    %get3A_14 = vector.load %arg1[%get3A_11, %get3A_12, %get3A_13] : memref<2x5000x128xf32, #tpu.memory_space<vmem>>, vector<1x5000x128xf32>
    %get3A_15 = vector.shape_cast %get3A_14 : vector<1x5000x128xf32> to vector<5000x128xf32>
    %get3A_16 = arith.constant 1 : index
    %get3A_17 = arith.constant 0 : index
    %get3A_18 = arith.constant 0 : index
    %get3A_19 = vector.load %arg1[%get3A_16, %get3A_17, %get3A_18] : memref<2x5000x128xf32, #tpu.memory_space<vmem>>, vector<1x5000x128xf32>
    %get3A_20 = vector.shape_cast %get3A_19 : vector<1x5000x128xf32> to vector<5000x128xf32>
    %add3A_21 = arith.addf %get3A_15, %get3A_20 : vector<5000x128xf32>
    %broadcast_in_dim3A = vector.shape_cast %rsqrt3A : vector<5000xf32> to vector<5000x1xf32>
    %mul3A = vector.broadcast %broadcast_in_dim3A : vector<5000x1xf32> to vector<5000x128xf32>
    %mul3A_22 = arith.mulf %add3A_21, %mul3A : vector<5000x128xf32>
    %get3A_23 = arith.constant 0 : index
    %get3A_24 = arith.constant 0 : index
    %get3A_25 = vector.load %arg3[%get3A_23, %get3A_24] : memref<1x128xf32, #tpu.memory_space<vmem>>, vector<1x128xf32>
    %get3A_26 = vector.shape_cast %get3A_25 : vector<1x128xf32> to vector<128xf32>
    %broadcast_in_dim3A_27 = vector.shape_cast %get3A_26 : vector<128xf32> to vector<1x128xf32>
    %add3A_28 = vector.broadcast %broadcast_in_dim3A_27 : vector<1x128xf32> to vector<5000x128xf32>
    %add3A_29 = arith.addf %mul3A_22, %add3A_28 : vector<5000x128xf32>
    %max3A_30 = arith.constant 0.000000e+00 : f32
    %max3A_31 = vector.broadcast %max3A_30 : f32 to vector<5000x128xf32>
    %max3A_32 = arith.maximumf %add3A_29, %max3A_31 : vector<5000x128xf32>
    %get3A_33 = arith.constant 0 : index
    %get3A_34 = arith.constant 0 : index
    %get3A_35 = vector.load %arg4[%get3A_33, %get3A_34] : memref<128x128xf32, #tpu.memory_space<vmem>>, vector<128x128xf32>
    %dot_general3A = arith.constant dense<0.000000e+00> : vector<5000x128xf32>
    %dot_general3A_36 = tpu.matmul %max3A_32, %get3A_35, %dot_general3A {dimension_numbers = #tpu.dot_dimension_numbers<[1], [0], [0], [1], [0, 0, 1, 1], [], []>, transpose_lhs_hint = false} : vector<5000x128xf32>, vector<128x128xf32>, vector<5000x128xf32> -> vector<5000x128xf32>
    %get3A_37 = arith.constant 0 : index
    %get3A_38 = arith.constant 0 : index
    %get3A_39 = vector.load %arg5[%get3A_37, %get3A_38] : memref<1x128xf32, #tpu.memory_space<vmem>>, vector<1x128xf32>
    %get3A_40 = vector.shape_cast %get3A_39 : vector<1x128xf32> to vector<128xf32>
    %broadcast_in_dim3A_41 = vector.shape_cast %get3A_40 : vector<128xf32> to vector<1x128xf32>
    %add3A_42 = vector.broadcast %broadcast_in_dim3A_41 : vector<1x128xf32> to vector<5000x128xf32>
    %add3A_43 = arith.addf %dot_general3A_36, %add3A_42 : vector<5000x128xf32>
    %tanh3A = math.tanh %add3A_43 : vector<5000x128xf32>
    %get3A_44 = arith.constant 0 : index
    %get3A_45 = arith.constant 0 : index
    %get3A_46 = vector.load %arg6[%get3A_44, %get3A_45] : memref<128x128xf32, #tpu.memory_space<vmem>>, vector<128x128xf32>
    %dot_general3A_47 = arith.constant dense<0.000000e+00> : vector<5000x128xf32>
    %dot_general3A_48 = tpu.matmul %tanh3A, %get3A_46, %dot_general3A_47 {dimension_numbers = #tpu.dot_dimension_numbers<[1], [0], [0], [1], [0, 0, 1, 1], [], []>, transpose_lhs_hint = false} : vector<5000x128xf32>, vector<128x128xf32>, vector<5000x128xf32> -> vector<5000x128xf32>
    %get3A_49 = arith.constant 0 : index
    %get3A_50 = arith.constant 0 : index
    %get3A_51 = vector.load %arg7[%get3A_49, %get3A_50] : memref<1x128xf32, #tpu.memory_space<vmem>>, vector<1x128xf32>
    %get3A_52 = vector.shape_cast %get3A_51 : vector<1x128xf32> to vector<128xf32>
    %broadcast_in_dim3A_53 = vector.shape_cast %get3A_52 : vector<128xf32> to vector<1x128xf32>
    %add3A_54 = vector.broadcast %broadcast_in_dim3A_53 : vector<1x128xf32> to vector<5000x128xf32>
    %add3A_55 = arith.addf %dot_general3A_48, %add3A_54 : vector<5000x128xf32>
    %tanh3A_56 = math.tanh %add3A_55 : vector<5000x128xf32>
    %get3A_57 = arith.constant 0 : index
    %get3A_58 = arith.constant 0 : index
    %get3A_59 = vector.load %arg8[%get3A_57, %get3A_58] : memref<128x128xf32, #tpu.memory_space<vmem>>, vector<128x128xf32>
    %dot_general3A_60 = arith.constant dense<0.000000e+00> : vector<5000x128xf32>
    %dot_general3A_61 = tpu.matmul %tanh3A_56, %get3A_59, %dot_general3A_60 {dimension_numbers = #tpu.dot_dimension_numbers<[1], [0], [0], [1], [0, 0, 1, 1], [], []>, transpose_lhs_hint = false} : vector<5000x128xf32>, vector<128x128xf32>, vector<5000x128xf32> -> vector<5000x128xf32>
    %get3A_62 = arith.constant 0 : index
    %get3A_63 = arith.constant 0 : index
    %get3A_64 = vector.load %arg9[%get3A_62, %get3A_63] : memref<1x128xf32, #tpu.memory_space<vmem>>, vector<1x128xf32>
    %get3A_65 = vector.shape_cast %get3A_64 : vector<1x128xf32> to vector<128xf32>
    %broadcast_in_dim3A_66 = vector.shape_cast %get3A_65 : vector<128xf32> to vector<1x128xf32>
    %add3A_67 = vector.broadcast %broadcast_in_dim3A_66 : vector<1x128xf32> to vector<5000x128xf32>
    %add3A_68 = arith.addf %dot_general3A_61, %add3A_67 : vector<5000x128xf32>
    %swap3A = arith.constant 0 : index
    %swap3A_69 = arith.constant 0 : index
    %swap3A_70 = vector.load %arg10[%swap3A, %swap3A_69] : memref<5000x128xf32, #tpu.memory_space<vmem>>, vector<5000x128xf32>
    tpu.vector_store %arg10[%swap3A, %swap3A_69], %add3A_68 {strides = array<i32>} : memref<5000x128xf32, #tpu.memory_space<vmem>>, vector<5000x128xf32>,
    return
  }
  func.func @transform_0(%arg0: i32) -> (i32, i32, i32) {
    %c0_i32 = arith.constant 0 : i32
    %c0_i32_0 = arith.constant 0 : i32
    %c0_i32_1 = arith.constant 0 : i32
    return %c0_i32, %arg0, %c0_i32_0 : i32, i32, i32
  }
  func.func @transform_1(%arg0: i32) -> (i32, i32, i32) {
    %c0_i32 = arith.constant 0 : i32
    %c0_i32_0 = arith.constant 0 : i32
    %c0_i32_1 = arith.constant 0 : i32
    return %c0_i32, %arg0, %c0_i32_0 : i32, i32, i32
  }
  func.func @transform_2(%arg0: i32) -> (i32, i32) {
    %c0_i32 = arith.constant 0 : i32
    %c0_i32_0 = arith.constant 0 : i32
    %c0_i32_1 = arith.constant 0 : i32
    return %c0_i32, %c0_i32_0 : i32, i32
  }
  func.func @transform_3(%arg0: i32) -> (i32, i32) {
    %c0_i32 = arith.constant 0 : i32
    %c0_i32_0 = arith.constant 0 : i32
    %c0_i32_1 = arith.constant 0 : i32
    return %c0_i32, %c0_i32_0 : i32, i32
  }
  func.func @transform_4(%arg0: i32) -> (i32, i32) {
    %c0_i32 = arith.constant 0 : i32
    %c0_i32_0 = arith.constant 0 : i32
    %c0_i32_1 = arith.constant 0 : i32
    return %c0_i32, %c0_i32_0 : i32, i32
  }
  func.func @transform_5(%arg0: i32) -> (i32, i32) {
    %c0_i32 = arith.constant 0 : i32
    %c0_i32_0 = arith.constant 0 : i32
    %c0_i32_1 = arith.constant 0 : i32
    return %c0_i32, %c0_i32_0 : i32, i32
  }
  func.func @transform_6(%arg0: i32) -> (i32, i32) {
    %c0_i32 = arith.constant 0 : i32
    %c0_i32_0 = arith.constant 0 : i32
    %c0_i32_1 = arith.constant 0 : i32
    return %c0_i32, %c0_i32_0 : i32, i32
  }
  func.func @transform_7(%arg0: i32) -> (i32, i32) {
    %c0_i32 = arith.constant 0 : i32
    %c0_i32_0 = arith.constant 0 : i32
    %c0_i32_1 = arith.constant 0 : i32
    return %c0_i32, %c0_i32_0 : i32, i32
  }
  func.func @transform_8(%arg0: i32) -> (i32, i32) {
    %c0_i32 = arith.constant 0 : i32
    %c0_i32_0 = arith.constant 0 : i32
    %c0_i32_1 = arith.constant 0 : i32
    return %c0_i32, %c0_i32_0 : i32, i32
  }
  func.func @transform_9(%arg0: i32) -> (i32, i32) {
    %c0_i32 = arith.constant 0 : i32
    %c0_i32_0 = arith.constant 0 : i32
    return %arg0, %c0_i32 : i32, i32
  }
}

</mosaic_0001>

<sc_bundles>
// kernel: kernel.6.cloned.1.call-start
scs
__scs_entry_jumppad:
0x0: {  	(pc) =	sbr.rel $0x88, $3  }
0x1: {  	(tag) =	ssettag $0x0;
	lr =	simm.s32 $0x1  }
0x2: {  	[smem:$0x3F97] =	sst lr;
	_ =	strace $0xD0000000  }
0x3: {  	_ = 	snop  }
0x4: {  	_ = 	snop  }
0x5: {  	_ = 	snop  }
0x6: {  	_ = 	snop  }
0x7: {  	_ = 	snop  }
__scs_overlays_trampoline_lowered:
0x8: {  	[smem:$0x3FA6] =	sst s0  }
0x9: {  	[smem:$0x3FA7] =	sst s1  }
0xa: {  	[smem:$0x3FA8] =	sst s2  }
0xb: {  	[smem:$0x3FA9] =	sst s3  }
0xc: {  	[smem:$0x3FAA] =	sst s4  }
0xd: {  	[smem:$0x3FAB] =	sst s5  }
0xe: {  	[smem:$0x3FAC] =	sst s6  }
0xf: {  	[smem:$0x3FAD] =	sst s7  }
0x10: {  	[smem:$0x3FAE] =	sst s8  }
0x11: {  	[smem:$0x3FAF] =	sst s9;
	s0 =	simm.s32 @!p0 $0x0  }
0x12: {  	s1 =	sld [smem:$0x3F95];
	s0 =	simm.s32 @p0 $0x1  }
0x13: {  	[smem:$0x3FB0] =	sst s0;
	s0 =	simm.s32 @!p1 $0x0  }
0x14: {  	s2 =	sld [smem:$0x3F94];
	s0 =	simm.s32 @p1 $0x1  }
0x15: {  	[smem:$0x3FB1] =	sst s0;
	s0 =	simm.s32 @!p2 $0x0  }
0x16: {  	s3 =	sld [smem:$0x3FDB];
	s0 =	simm.s32 @p2 $0x1  }
0x17: {  	s4 =	simm.s32 $0x1BF5;
	[smem:$0x3FB3] =	sst s0  }
0x18: {  	s0 =	sld [smem:$0x3F96];
	_ =	swait.ge [sflag:s4], $0x0  }
0x19: {  	s7 =	sld [smem:$0x3F97]  }
0x1a: {  	s8 =	sadd.s32 $0xFFFFE003, lr  }
0x1b: {  	s9 =	sadd.s32 $0xFFFFFEF7, lr;
	s5 =	simm.s32 $0xFFFFFFFF;
	p2 =	slt.u32 s8, $0xFFFFF086  }
0x1c: {  	p1 =	slt.u32 s9, $0xF7A;
	s5 =	simm.s32 @!p2 $0x0  }
0x1d: {  	s5 =	simm.s32 @p1 $0x1;
	p0 =	seq.s32 s7, s2  }
0x1e: {  	s7 =	smul.u32 @!p0 $0xF7A, s2;
	p2 =	seq.s32 @!p0 s5, $0x0  }
0x1f: {  	s9 =	smul.u32 $0xF7A, s1;
	s8 =	simm.s32 @!p0 $0x1BF5;
	p2 =	por !p2, p0  }
0x20: {  	[sflag:s8] =	ssyncset.s32 @!p0 $0xFFFFF086;
	s6 =	sadd.s32 @!p0 s3, s7;
	s7 =	simm.s32 @!p0 $0x108  }
0x21: {  	s3 =	sadd.s32 s3, s9;
	s6 =	sadd.s32 @!p0 $0x88, s6;
	s7 =	simm.s32 @p2 $0x1082  }
0x22: {  	[simem:s7], [sflag:s8] =	dma.local @!p0 [hbm:s6], $0xF7A  }
0x23: {  	s9 =	sor.u32 $0xD0000000, s2;
	s6 =	simm.s32 $0x108;
	_ =	swait.ge @!p0 [sflag:s8], $0x0  }
0x24: {  	s3 =	sadd.s32 $0x88, s3;
	s6 =	simm.s32 @!p1 $0x1082;
	[sflag:s4] =	ssyncset.s32 $0xFFFFF086  }
0x25: {  	[simem:s6], [sflag:s4] =	dma.local [hbm:s3], $0xF7A  }
0x26: {  	[smem:$0x3F97] =	sst s1;
	(tag) =	ssettag s2;
	_ =	strace s9  }
0x27: {  	s1 =	sld [smem:$0x3FA7]  }
0x28: {  	s2 =	sld [smem:$0x3FA8]  }
0x29: {  	s4 =	sld [smem:$0x3FAA]  }
0x2a: {  	p0 =	seq.s32 s5, $0x0;
	s5 =	sld [smem:$0x3FAB]  }
0x2b: {  	s6 =	sld [smem:$0x3FAC]  }
0x2c: {  	s7 =	sld [smem:$0x3FAD]  }
0x2d: {  	s3 =	simm.s32 $0x108;
	s8 =	sld [smem:$0x3FAE]  }
0x2e: {  	s3 =	simm.s32 @!p0 $0x1082;
	s9 =	sld [smem:$0x3FAF]  }
0x2f: {  	lr =	sadd.s32 s0, s3;
	s0 =	sld [smem:$0x3FA6]  }
0x30: {  	s3 =	sld [smem:$0x3FA9]  }
0x31: {  	[smem:$0x3FB2] =	sst s10  }
0x32: {  	s10 =	sld [smem:$0x3FB0];
	_ =	sdelay $0x3  }
0x33: {  	p0 =	seq.s32 s10, $0x1;
	s10 =	sld [smem:$0x3FB2];
	_ =	sdelay $0x3  }
0x34: {  	[smem:$0x3FB2] =	sst s10  }
0x35: {  	s10 =	sld [smem:$0x3FB1];
	_ =	sdelay $0x3  }
0x36: {  	p1 =	seq.s32 s10, $0x1;
	s10 =	sld [smem:$0x3FB2];
	_ =	sdelay $0x3  }
0x37: {  	[smem:$0x3FB2] =	sst s10  }
0x38: {  	s10 =	sld [smem:$0x3FB3]  }
0x39: {  	_ = 	snop;
	(pc) =	sbr.ind lr, $3  }
0x3a: {  	_ = 	snop  }
0x3b: {  	_ = 	snop  }
0x3c: {  	p2 =	seq.s32 s10, $0x1;
	s10 =	sld [smem:$0x3FB2]  }
0x3d: {  	_ =	shalt  }
0x3e: {  	_ =	shalt  }
0x3f: {  	_ =	shalt  }
0x40: {  	_ =	shalt  }
0x41: {  	_ =	shalt  }
0x42: {  	_ =	shalt  }
0x43: {  	_ =	shalt  }
0x44: {  	_ =	shalt  }
0x45: {  	_ =	shalt  }
0x46: {  	_ =	shalt  }
0x47: {  	_ =	shalt  }
0x48: {  	_ =	shalt  }
0x49: {  	_ =	shalt  }
0x4a: {  	_ =	shalt  }
0x4b: {  	_ =	shalt  }
0x4c: {  	_ =	shalt  }
0x4d: {  	_ =	shalt  }
0x4e: {  	_ =	shalt  }
0x4f: {  	_ =	shalt  }
0x50: {  	_ =	shalt  }
0x51: {  	_ =	shalt  }
0x52: {  	_ =	shalt  }
0x53: {  	_ =	shalt  }
0x54: {  	_ =	shalt  }
0x55: {  	_ =	shalt  }
0x56: {  	_ =	shalt  }
0x57: {  	_ =	shalt  }
0x58: {  	_ =	shalt  }
0x59: {  	_ =	shalt  }
0x5a: {  	_ =	shalt  }
0x5b: {  	_ =	shalt  }
0x5c: {  	_ =	shalt  }
0x5d: {  	_ =	shalt  }
0x5e: {  	_ =	shalt  }
0x5f: {  	_ =	shalt  }
0x60: {  	_ =	shalt  }
0x61: {  	_ =	shalt  }
0x62: {  	_ =	shalt  }
0x63: {  	_ =	shalt  }
0x64: {  	_ =	shalt  }
0x65: {  	_ =	shalt  }
0x66: {  	_ =	shalt  }
0x67: {  	_ =	shalt  }
0x68: {  	_ =	shalt  }
0x69: {  	_ =	shalt  }
0x6a: {  	_ =	shalt  }
0x6b: {  	_ =	shalt  }
0x6c: {  	_ =	shalt  }
0x6d: {  	_ =	shalt  }
0x6e: {  	_ =	shalt  }
0x6f: {  	_ =	shalt  }
0x70: {  	_ =	shalt  }
0x71: {  	_ =	shalt  }
0x72: {  	_ =	shalt  }
0x73: {  	_ =	shalt  }
0x74: {  	_ =	shalt  }
0x75: {  	_ =	shalt  }
0x76: {  	_ =	shalt  }
0x77: {  	_ =	shalt  }
0x78: {  	_ =	shalt  }
0x79: {  	_ =	shalt  }
0x7a: {  	_ =	shalt  }
0x7b: {  	_ =	shalt  }
0x7c: {  	_ =	shalt  }
0x7d: {  	_ =	shalt  }
0x7e: {  	_ =	shalt  }
0x7f: {  	_ =	shalt  }
0x80: {  	_ =	shalt  }
0x81: {  	_ =	shalt  }
0x82: {  	_ =	shalt  }
0x83: {  	_ =	shalt  }
0x84: {  	_ =	shalt  }
0x85: {  	_ =	shalt  }
0x86: {  	_ =	shalt  }
0x87: {  	_ =	shalt  }
.Lfunc_end0:
.L_simem_size_0:
called_computation_lowered:
.L_overlay_start_0:
0x88: {  	s2 =	sld [smem:$0x3FD9]  }
0x89: {  	s3 =	sld [smem:$0x3FFE];
	_ =	sdelay $0x1  }
0x8a: {  	s1 =	srdreg.scid  }
0x8b: {  	s0 =	sand.u32 $0x1, s1  }
0x8c: {  	s17 =	sshll.u32 s0, $0xA;
	s2 =	sadd.s32 s3, s2  }
0x8d: {  	s2 =	sadd.s32 s2, s17  }
0x8e: {  	[smem:$0x3FBE] =	sst s2  }
0x8f: {  	_ = 	snop  }
0x90: {  	s2 =	sld [smem:$0x3FD0];
	(tm) =	ssettm $0x1  }
0x91: {  	s18 =	sld [smem:$0x3FFB];
	_ =	sdelay $0x3  }
0x92: {  	_ =	strace s18  }
0x93: {  	s3 =	sld [smem:$0x3FFC];
	_ =	sdelay $0x3  }
0x94: {  	_ =	strace s3  }
0x95: {  	s3 =	sld [smem:$0x3FFD];
	_ =	sdelay $0x3  }
0x96: {  	_ =	strace s3  }
0x97: {  	_ =	strace $0x8FFFFFFF  }
0x98: {  	s19 =	sld [smem:$0x3FDB];
	_ =	sdelay $0x1  }
0x99: {  	s4 =	simm.s32 $_scs_section_size  }
0x9a: {  	s5 =	simm.s32 $_size__tile_overlayer_lowered;
	s6 =	simm.s32 $_tile_overlayer_lowered  }
0x9b: {  	s22 =	simm.s32 $0x1BFF;
	s21 =	sshll.u32 s6, $0x1;
	s3 =	sadd.s32 s4, s19  }
0x9c: {  	s7 =	simm.s32 $0x0;
	s20 =	sshll.u32 s5, $0x1;
	s5 =	sadd.s32 s21, s3  }
0x9d: {  	[timem:s7], [sflag:s22] =	dma.local [hbm:s5], s20  }
0x9e: {  	_ =	swait.ge [sflag:s22], s20  }
0x9f: {  	s4 =	ssub.s32 $0x0, s20;
	[sflag:s22] =	ssyncset.done $0x0  }
0xa0: {  	[sflag:s22] =	ssyncadd.s32 s4;
	_ =	sdelay $0x1  }
0xa1: {  	s23 =	simm.s32 $0x1B8B  }
0xa2: {  	_ =	swait.ge [sflag:s23], $0x1  }
0xa3: {  	[sflag:s23] =	ssyncset.done $0x0  }
0xa4: {  	s25 =	simm.s32 $0x1B8E;
	s24 =	sld [smem:$0x3FFE];
	[sflag:s23] =	ssyncadd.s32 $0xFFFFFFFF  }
0xa5: {  	s26 =	simm.s32 $execute0_lowered;
	[smem:$0x3FD2] =	sst s25  }
0xa6: {  	s5 =	sshll.u32 s26, $0x1;
	_ =	strace $0x80000046;
	[dreg:$0x1] =	wrdreg $0xFFFFFFFF  }
0xa7: {  	s28 =	simm.s32 $_size_execute0_lowered;
	s3 =	sadd.s32 s3, s5;
	[dreg:$0x0] =	wrdreg $0x0  }
0xa8: {  	s5 =	sshll.u32 s28, $0x1;
	[dreg:$0x2] =	wrdreg s3  }
0xa9: {  	[dreg:$0x3] =	wrdreg s5  }
0xaa: {  	[dreg:$0x4] =	wrdreg $0xC0  }
0xab: {  	_ =	task [dreg:s7], $0x5FFFF  }
0xac: {  	[dreg:$0x1] =	wrdreg $0xFFFFFFFF  }
0xad: {  	[dreg:$0x0] =	wrdreg $0x60  }
0xae: {  	[dreg:$0x2] =	wrdreg s24  }
0xaf: {  	[dreg:$0x3] =	wrdreg s2  }
0xb0: {  	[dreg:$0x4] =	wrdreg $0x28500  }
0xb1: {  	[dreg:$0x5] =	wrdreg $0x9  }
0xb2: {  	_ =	task.clear_ibuf [dreg:s7], $0x6FFFF;
	_ =	strace $0x90000046  }
0xb3: {  	s29 =	simm.s32 $0x9;
	_ =	strace $0x80000048  }
0xb4: {  	_ =	swait.ge [sflag:s29], $0x1  }
0xb5: {  	[sflag:s29] =	ssyncadd.s32 $0xFFFFFFFF  }
0xb6: {  	_ =	strace $0x90000048  }
0xb7: {  	_ =	sfence  }
0xb8: {  	s30 =	sld [smem:$0x0];
	_ =	sdelay $0x2  }
0xb9: {  	s31 =	sshll.u32 s1, $0xD;
	s1 =	sshrl.u32 s1, $0x2  }
0xba: {  	s3 =	sand.u32 $0x4000, s31;
	s1 =	sadd.s32 s1, s30  }
0xbb: {  	s0 =	sor.u32 s3, s0;
	s1 =	sshll.u32 s1, $0x11  }
0xbc: {  	s0 =	sor.u32 s1, s0  }
0xbd: {  	s0 =	sadd.s32 $0x8F2B, s0  }
0xbe: {  	[sflag:s0] =	ssyncadd.remote.s32 $0x1  }
0xbf: {  	_ =	sfence.sel $0xFFFF  }
0xc0: {  	[dreg:$0x0] =	wrdreg $0xFFFFFFFF;
	(pc) =	sbr.abs _section_cstart, $3  }
0xc1: {  	[dreg:$0x1] =	wrdreg $0xFFFFFFFF  }
0xc2: {  	_ =	task.clear_ibuf [dreg:s7], $0x2FFFF;
	_ =	strace $0x9FFFFFFF  }
0xc3: {  	(tm) =	ssettm $0x7FFFFFFF  }
tec
execute0_lowered:
.L_overlay_start_1:
0x0: {  	(tag) =	ssettag $0x1  }
0x1: {  	s0 =	rddreg [dreg:$0x0]  }
0x2: {  	s8 =	rddreg [dreg:$0x1];
	s1 =	srdreg.scid  }
0x3: {  	s2 =	rddreg [dreg:$0x2];
	s3 =	simm.s32 $0x0;
	s13 =	simm.s32 $0x28  }
0x4: {  	s14 =	simm.s32 $0x50;
	s15 =	simm.s32 $0x78;
	s16 =	simm.s32 $0xA0  }
0x5: {  	s17 =	simm.s32 $0xC8;
	s18 =	simm.s32 $0xF0;
	s19 =	simm.s32 $0x118  }
0x6: {  	s20 =	simm.s32 $0x140;
	s21 =	simm.s32 $0x168;
	s22 =	simm.s32 $0x190  }
0x7: {  	s23 =	simm.s32 $0x1B8;
	s28 =	simm.s32 $0x258;
	s29 =	simm.s32 $0x1  }
0x8: {  	s30 =	simm.s32 $0x0;
	s4 =	sand.u32 $0x1, s1;
	s1 =	stileid.u32  }
0x9: {  	[smem:$0x7FF] =	sst s3;
	s5 =	sshll.u32 s4, $0x4;
	s6 =	smul.u32 $0x4E20, s1  }
0xa: {  	_ =	strace $0x80000047;
	s9 =	ssub.s32 $0x2, s4;
	s10 =	smul.u32 $0x13880, s4  }
0xb: {  	s4 =	sadd.s32 $0x15E00, s0;
	s12 =	smul.u32 $0x1388, s1;
	s5 =	sor.u32 s1, s5  }
0xc: {  	s31 =	sshll.u32 s1, $0x6;
	s11 =	sshrl.u32 s9, $0x1;
	s7 =	smul.u32 $0x2710, s5  }
0xd: {  	s5 =	sadd.s32 $0x16000, s0;
	s9 =	ssub.s32 s9, s11;
	s6 =	sshrl.u32 s6, $0x2  }
0xe: {  	s26 =	sadd.s32 s12, s10;
	s11 =	simm.s32 $0x2;
	s24 =	sadd.s32 s6, s2  }
0xf: {  	s12 =	sshrl.u32 s26, $0x3;
	s6 =	sor.u32 $0x1C02, s31;
	s9 =	smax.u32 s9, $0x1  }
0x10: {  	s26 =	simm.s32 $0x230;
	s25 =	sshrl.u32 s7, $0x3;
	s8 =	sadd.s32 s8, s12  }
0x11: {  	s10 =	sshrl.u32 s24, $0x3;
	s12 =	simm.s32 $0x2710;
	s0 =	sadd.s32 s0, s25  }
0x12: {  	s24 =	simm.s32 $0x1E0;
	s25 =	simm.s32 $0x208;
	s7 =	sadd.s32 $0xC040, s0  }
.LBB2_1:
0x13: {  	[spmem:s10], [sflag:s6] =	dma.local [hbm:s5], $0x271  }
0x14: {  	_ =	swait.ge [sflag:s11], $0x271  }
0x15: {  	[sflag:s11] =	ssyncset.done $0x0  }
0x16: {  	[sflag:s11] =	ssyncadd.s32 $0xFFFFFD8F  }
0x17: {  	[tilespmem:s3], [sflag:$0x2] =	stream.linear.gather [hbm4b:s7+s3], $0x2710, $0x38;
	[tilespmem:$0x3BD8] =	vst v63  }
0x18: {  	_ =	swait.ge [sflag:s11], $0x2710  }
0x19: {  	[sflag:s11] =	ssyncset.done $0x0  }
0x1a: {  	[sflag:s11] =	ssyncadd.s32 $0xFFFFD8F0  }
0x1b: {  	[tilespmem:s12], [sflag:$0x2] =	stream.linear.gather [hbm4b:s4+s3], $0x140, $0x38;
	[tilespmem:$0x3BD8] =	vst v63  }
0x1c: {  	_ =	swait.ge [sflag:s11], $0x140  }
0x1d: {  	[sflag:s11] =	ssyncset.done $0x0  }
0x1e: {  	[sflag:s11] =	ssyncadd.s32 $0xFFFFFEC0  }
0x1f: {  	[bflag:$0x0] =	sbarrier.arrive $0xFFFF  }
0x20: {  	[spmem:s2] =	stream.indirect.scatter.add.f32 [tilespmem:s12], [sflag:$0x1], $0x8, s3, s13, $0xb8;
	[tilespmem:$0x3BD8] =	vst v63  }
0x21: {  	_ = 	snop  }
0x22: {  	[spmem:s2] =	stream.indirect.scatter.add.f32 [tilespmem:s12], [sflag:$0x1], $0x8, s13, s13, $0xb8;
	[tilespmem:$0x3BD8] =	vst v63  }
0x23: {  	_ = 	snop  }
0x24: {  	[spmem:s2] =	stream.indirect.scatter.add.f32 [tilespmem:s12], [sflag:$0x1], $0x8, s14, s13, $0xb8;
	[tilespmem:$0x3BD8] =	vst v63  }
0x25: {  	_ = 	snop  }
0x26: {  	[spmem:s2] =	stream.indirect.scatter.add.f32 [tilespmem:s12], [sflag:$0x1], $0x8, s15, s13, $0xb8;
	[tilespmem:$0x3BD8] =	vst v63  }
0x27: {  	_ = 	snop  }
0x28: {  	[spmem:s2] =	stream.indirect.scatter.add.f32 [tilespmem:s12], [sflag:$0x1], $0x8, s16, s13, $0xb8;
	[tilespmem:$0x3BD8] =	vst v63  }
0x29: {  	_ = 	snop  }
0x2a: {  	[spmem:s2] =	stream.indirect.scatter.add.f32 [tilespmem:s12], [sflag:$0x1], $0x8, s17, s13, $0xb8;
	[tilespmem:$0x3BD8] =	vst v63  }
0x2b: {  	_ = 	snop  }
0x2c: {  	[spmem:s2] =	stream.indirect.scatter.add.f32 [tilespmem:s12], [sflag:$0x1], $0x8, s18, s13, $0xb8;
	[tilespmem:$0x3BD8] =	vst v63  }
0x2d: {  	_ = 	snop  }
0x2e: {  	[spmem:s2] =	stream.indirect.scatter.add.f32 [tilespmem:s12], [sflag:$0x1], $0x8, s19, s13, $0xb8;
	[tilespmem:$0x3BD8] =	vst v63  }
0x2f: {  	_ = 	snop  }
0x30: {  	[spmem:s2] =	stream.indirect.scatter.add.f32 [tilespmem:s12], [sflag:$0x1], $0x8, s20, s13, $0xb8;
	[tilespmem:$0x3BD8] =	vst v63  }
0x31: {  	_ = 	snop  }
0x32: {  	[spmem:s2] =	stream.indirect.scatter.add.f32 [tilespmem:s12], [sflag:$0x1], $0x8, s21, s13, $0xb8;
	[tilespmem:$0x3BD8] =	vst v63  }
0x33: {  	_ = 	snop  }
0x34: {  	[spmem:s2] =	stream.indirect.scatter.add.f32 [tilespmem:s12], [sflag:$0x1], $0x8, s22, s13, $0xb8;
	[tilespmem:$0x3BD8] =	vst v63  }
0x35: {  	_ = 	snop  }
0x36: {  	[spmem:s2] =	stream.indirect.scatter.add.f32 [tilespmem:s12], [sflag:$0x1], $0x8, s23, s13, $0xb8;
	[tilespmem:$0x3BD8] =	vst v63  }
0x37: {  	_ = 	snop  }
0x38: {  	[spmem:s2] =	stream.indirect.scatter.add.f32 [tilespmem:s12], [sflag:$0x1], $0x8, s24, s13, $0xb8;
	[tilespmem:$0x3BD8] =	vst v63  }
0x39: {  	_ = 	snop  }
0x3a: {  	[spmem:s2] =	stream.indirect.scatter.add.f32 [tilespmem:s12], [sflag:$0x1], $0x8, s25, s13, $0xb8;
	[tilespmem:$0x3BD8] =	vst v63  }
0x3b: {  	_ = 	snop  }
0x3c: {  	[spmem:s2] =	stream.indirect.scatter.add.f32 [tilespmem:s12], [sflag:$0x1], $0x8, s26, s13, $0xb8;
	[tilespmem:$0x3BD8] =	vst v63  }
0x3d: {  	_ = 	snop  }
0x3e: {  	[spmem:s2] =	stream.indirect.scatter.add.f32 [tilespmem:s12], [sflag:$0x1], $0x8, s28, s13, $0xb8;
	[tilespmem:$0x3BD8] =	vst v63  }
0x3f: {  	_ =	swait.ge [sflag:s29], $0x140  }
0x40: {  	[sflag:s29] =	ssyncset.done $0x0  }
0x41: {  	s31 =	simm.s32 $0xAA0;
	s0 =	simm.s32 $0x280;
	[sflag:s29] =	ssyncadd.s32 $0xFFFFFEC0  }
.LBB2_2:
0x42: {  	[spmem:s2] =	stream.indirect.scatter.add.f32 [tilespmem:s12], [sflag:$0x1], $0x8, s0, s13, $0xb8;
	[tilespmem:$0x3BD8] =	vst v63  }
0x43: {  	s0 =	smov.u32 s31;
	p0 =	sne.s32 s31, $0x9BA0  }
.Ltmp0:
0x44: {  	s31 =	sadd.s32 $0xA0, s31;
	(pc) =	sbr.rel @p0 .LBB2_2-.Ltmp0, $4  }
0x45: {  	_ = 	snop  }
0x46: {  	_ =	swait.ge [sflag:s29], $0x140  }
0x47: {  	[sflag:s29] =	ssyncset.done $0x0  }
0x48: {  	s0 =	sshra.s32 s0, $0x2;
	[sflag:s29] =	ssyncadd.s32 $0xFFFFFEC0  }
0x49: {  	[spmem:s2] =	stream.indirect.scatter.add.f32 [tilespmem:s12], [sflag:$0x1], $0x8, s0, s13, $0xb8;
	[tilespmem:$0x3BD8] =	vst v63  }
0x4a: {  	_ =	swait.ge [sflag:s29], $0x140  }
0x4b: {  	[sflag:s29] =	ssyncset.done $0x0  }
0x4c: {  	[sflag:s29] =	ssyncadd.s32 $0xFFFFFEC0  }
0x4d: {  	_ =	swait.ge [sflag:s29], $0x140  }
0x4e: {  	[sflag:s29] =	ssyncset.done $0x0  }
0x4f: {  	[sflag:s29] =	ssyncadd.s32 $0xFFFFFEC0  }
0x50: {  	_ =	swait.ge [sflag:s29], $0x140  }
0x51: {  	[sflag:s29] =	ssyncset.done $0x0  }
0x52: {  	[sflag:s29] =	ssyncadd.s32 $0xFFFFFEC0  }
0x53: {  	_ =	swait.ge [sflag:s29], $0x140  }
0x54: {  	[sflag:s29] =	ssyncset.done $0x0  }
0x55: {  	[sflag:s29] =	ssyncadd.s32 $0xFFFFFEC0  }
0x56: {  	_ =	swait.ge [sflag:s29], $0x140  }
0x57: {  	[sflag:s29] =	ssyncset.done $0x0  }
0x58: {  	[sflag:s29] =	ssyncadd.s32 $0xFFFFFEC0  }
0x59: {  	_ =	swait.ge [sflag:s29], $0x140  }
0x5a: {  	[sflag:s29] =	ssyncset.done $0x0  }
0x5b: {  	[sflag:s29] =	ssyncadd.s32 $0xFFFFFEC0  }
0x5c: {  	_ =	swait.ge [sflag:s29], $0x140  }
0x5d: {  	[sflag:s29] =	ssyncset.done $0x0  }
0x5e: {  	[sflag:s29] =	ssyncadd.s32 $0xFFFFFEC0  }
0x5f: {  	_ =	swait.ge [sflag:s29], $0x140  }
0x60: {  	[sflag:s29] =	ssyncset.done $0x0  }
0x61: {  	[sflag:s29] =	ssyncadd.s32 $0xFFFFFEC0  }
0x62: {  	_ =	swait.ge [sflag:s29], $0x140  }
0x63: {  	[sflag:s29] =	ssyncset.done $0x0  }
0x64: {  	[sflag:s29] =	ssyncadd.s32 $0xFFFFFEC0  }
0x65: {  	_ =	swait.ge [sflag:s29], $0x140  }
0x66: {  	[sflag:s29] =	ssyncset.done $0x0  }
0x67: {  	[sflag:s29] =	ssyncadd.s32 $0xFFFFFEC0  }
0x68: {  	_ =	swait.ge [sflag:s29], $0x140  }
0x69: {  	[sflag:s29] =	ssyncset.done $0x0  }
0x6a: {  	[sflag:s29] =	ssyncadd.s32 $0xFFFFFEC0  }
0x6b: {  	_ =	swait.ge [sflag:s29], $0x140  }
0x6c: {  	[sflag:s29] =	ssyncset.done $0x0  }
0x6d: {  	[sflag:s29] =	ssyncadd.s32 $0xFFFFFEC0  }
0x6e: {  	_ =	swait.ge [sflag:s29], $0x140  }
0x6f: {  	[sflag:s29] =	ssyncset.done $0x0  }
0x70: {  	[sflag:s29] =	ssyncadd.s32 $0xFFFFFEC0  }
0x71: {  	_ =	swait.ge [sflag:s29], $0x140  }
0x72: {  	[sflag:s29] =	ssyncset.done $0x0  }
0x73: {  	[sflag:s29] =	ssyncadd.s32 $0xFFFFFEC0  }
0x74: {  	_ =	swait.ge [sflag:s29], $0x140  }
0x75: {  	[sflag:s29] =	ssyncset.done $0x0  }
0x76: {  	[sflag:s29] =	ssyncadd.s32 $0xFFFFFEC0  }
0x77: {  	_ =	swait.ge [sflag:s29], $0x140  }
0x78: {  	s30 =	sadd.s32 $0x1, s30;
	[sflag:s29] =	ssyncset.done $0x0  }
0x79: {  	p0 =	sne.s32 s30, s9;
	[sflag:s29] =	ssyncadd.s32 $0xFFFFFEC0  }
.Ltmp1:
0x7a: {  	[bflag:$0x0] =	sbarrier.arrive $0xFFFF;
	(pc) =	sbr.rel @p0 .LBB2_1-.Ltmp1, $4  }
0x7b: {  	[hbm:s8], [sflag:s6] =	dma.local [spmem:s10], $0x271  }
0x7c: {  	_ =	swait.ge [sflag:s11], $0x271  }
0x7d: {  	[sflag:s11] =	ssyncset.done $0x0  }
0x7e: {  	[sflag:s11] =	ssyncadd.s32 $0xFFFFFD8F  }
0x7f: {  	_ =	sfence.sel $0x180000  }
0x80: {  	[bflag:$0x0] =	sbarrier.arrive $0xFFFF  }
0x81: {  	_ =	strace $0x90000047  }
0x82: {  	[bflag:$0x2] =	sbarrier.arrive $0xFFFF  }
0x83: {  	p0 =	sne.s32 s1, $0x0;
	s0 =	rddreg [dreg:$0x3]  }
0x84: {  	s0 =	sadd.s32 @!p0 $0x100000, s0  }
0x85: {  	[sflag:s0] =	ssyncadd.tile.s32 @!p0 $0x1;
	_ =	shalt  }
.Lfunc_end2:
_tile_overlayer_lowered:
.L_overlay_start_2:
0x86: {  	(tag) =	ssettag $0x2  }
0x87: {  	s0 =	rddreg [dreg:$0x0];
	s2 =	stileid.u32  }
0x88: {  	s1 =	rddreg [dreg:$0x1];
	p0 =	sne.s32 s2, $0x0  }
0x89: {  	s3 =	rddreg [dreg:$0x2];
	[bflag:$0x3] =	sbarrier.arrive $0xFFFF;
	s2 =	simm.s32 @!p0 $0x1C02  }
0x8a: {  	[timem:s3], [sflag:s2] =	dma.local @!p0 [hbm:s0], s1  }
0x8b: {  	s0 =	simm.s32 @!p0 $0x2  }
0x8c: {  	_ =	swait.ge @!p0 [sflag:s0], s1  }
0x8d: {  	s1 =	ssub.s32 @!p0 $0x0, s1;
	[sflag:s0] =	ssyncset.done @!p0 $0x0  }
0x8e: {  	[sflag:s0] =	ssyncadd.s32 @!p0 s1  }
0x8f: {  	[bflag:$0x3] =	sbarrier.arrive $0xFFFF  }
0x90: {  	_ =	shalt  }

// kernel: kernel.9.cloned.1.call-start
scs
__scs_entry_jumppad:
0x0: {  	(pc) =	sbr.rel $0x88, $3  }
0x1: {  	(tag) =	ssettag $0x0;
	lr =	simm.s32 $0x1  }
0x2: {  	[smem:$0x3F97] =	sst lr;
	_ =	strace $0xD0000000  }
0x3: {  	_ = 	snop  }
0x4: {  	_ = 	snop  }
0x5: {  	_ = 	snop  }
0x6: {  	_ = 	snop  }
0x7: {  	_ = 	snop  }
__scs_overlays_trampoline_lowered:
0x8: {  	[smem:$0x3FA6] =	sst s0  }
0x9: {  	[smem:$0x3FA7] =	sst s1  }
0xa: {  	[smem:$0x3FA8] =	sst s2  }
0xb: {  	[smem:$0x3FA9] =	sst s3  }
0xc: {  	[smem:$0x3FAA] =	sst s4  }
0xd: {  	[smem:$0x3FAB] =	sst s5  }
0xe: {  	[smem:$0x3FAC] =	sst s6  }
0xf: {  	[smem:$0x3FAD] =	sst s7  }
0x10: {  	[smem:$0x3FAE] =	sst s8  }
0x11: {  	[smem:$0x3FAF] =	sst s9;
	s0 =	simm.s32 @!p0 $0x0  }
0x12: {  	s1 =	sld [smem:$0x3F95];
	s0 =	simm.s32 @p0 $0x1  }
0x13: {  	[smem:$0x3FB0] =	sst s0;
	s0 =	simm.s32 @!p1 $0x0  }
0x14: {  	s2 =	sld [smem:$0x3F94];
	s0 =	simm.s32 @p1 $0x1  }
0x15: {  	[smem:$0x3FB1] =	sst s0;
	s0 =	simm.s32 @!p2 $0x0  }
0x16: {  	s3 =	sld [smem:$0x3FDB];
	s0 =	simm.s32 @p2 $0x1  }
0x17: {  	s4 =	simm.s32 $0x1BF5;
	[smem:$0x3FB3] =	sst s0  }
0x18: {  	s0 =	sld [smem:$0x3F96];
	_ =	swait.ge [sflag:s4], $0x0  }
0x19: {  	s7 =	sld [smem:$0x3F97]  }
0x1a: {  	s8 =	sadd.s32 $0xFFFFE003, lr  }
0x1b: {  	s9 =	sadd.s32 $0xFFFFFEF7, lr;
	s5 =	simm.s32 $0xFFFFFFFF;
	p2 =	slt.u32 s8, $0xFFFFF086  }
0x1c: {  	p1 =	slt.u32 s9, $0xF7A;
	s5 =	simm.s32 @!p2 $0x0  }
0x1d: {  	s5 =	simm.s32 @p1 $0x1;
	p0 =	seq.s32 s7, s2  }
0x1e: {  	s7 =	smul.u32 @!p0 $0xF7A, s2;
	p2 =	seq.s32 @!p0 s5, $0x0  }
0x1f: {  	s9 =	smul.u32 $0xF7A, s1;
	s8 =	simm.s32 @!p0 $0x1BF5;
	p2 =	por !p2, p0  }
0x20: {  	[sflag:s8] =	ssyncset.s32 @!p0 $0xFFFFF086;
	s6 =	sadd.s32 @!p0 s3, s7;
	s7 =	simm.s32 @!p0 $0x108  }
0x21: {  	s3 =	sadd.s32 s3, s9;
	s6 =	sadd.s32 @!p0 $0x88, s6;
	s7 =	simm.s32 @p2 $0x1082  }
0x22: {  	[simem:s7], [sflag:s8] =	dma.local @!p0 [hbm:s6], $0xF7A  }
0x23: {  	s9 =	sor.u32 $0xD0000000, s2;
	s6 =	simm.s32 $0x108;
	_ =	swait.ge @!p0 [sflag:s8], $0x0  }
0x24: {  	s3 =	sadd.s32 $0x88, s3;
	s6 =	simm.s32 @!p1 $0x1082;
	[sflag:s4] =	ssyncset.s32 $0xFFFFF086  }
0x25: {  	[simem:s6], [sflag:s4] =	dma.local [hbm:s3], $0xF7A  }
0x26: {  	[smem:$0x3F97] =	sst s1;
	(tag) =	ssettag s2;
	_ =	strace s9  }
0x27: {  	s1 =	sld [smem:$0x3FA7]  }
0x28: {  	s2 =	sld [smem:$0x3FA8]  }
0x29: {  	s4 =	sld [smem:$0x3FAA]  }
0x2a: {  	p0 =	seq.s32 s5, $0x0;
	s5 =	sld [smem:$0x3FAB]  }
0x2b: {  	s6 =	sld [smem:$0x3FAC]  }
0x2c: {  	s7 =	sld [smem:$0x3FAD]  }
0x2d: {  	s3 =	simm.s32 $0x108;
	s8 =	sld [smem:$0x3FAE]  }
0x2e: {  	s3 =	simm.s32 @!p0 $0x1082;
	s9 =	sld [smem:$0x3FAF]  }
0x2f: {  	lr =	sadd.s32 s0, s3;
	s0 =	sld [smem:$0x3FA6]  }
0x30: {  	s3 =	sld [smem:$0x3FA9]  }
0x31: {  	[smem:$0x3FB2] =	sst s10  }
0x32: {  	s10 =	sld [smem:$0x3FB0];
	_ =	sdelay $0x3  }
0x33: {  	p0 =	seq.s32 s10, $0x1;
	s10 =	sld [smem:$0x3FB2];
	_ =	sdelay $0x3  }
0x34: {  	[smem:$0x3FB2] =	sst s10  }
0x35: {  	s10 =	sld [smem:$0x3FB1];
	_ =	sdelay $0x3  }
0x36: {  	p1 =	seq.s32 s10, $0x1;
	s10 =	sld [smem:$0x3FB2];
	_ =	sdelay $0x3  }
0x37: {  	[smem:$0x3FB2] =	sst s10  }
0x38: {  	s10 =	sld [smem:$0x3FB3]  }
0x39: {  	_ = 	snop;
	(pc) =	sbr.ind lr, $3  }
0x3a: {  	_ = 	snop  }
0x3b: {  	_ = 	snop  }
0x3c: {  	p2 =	seq.s32 s10, $0x1;
	s10 =	sld [smem:$0x3FB2]  }
0x3d: {  	_ =	shalt  }
0x3e: {  	_ =	shalt  }
0x3f: {  	_ =	shalt  }
0x40: {  	_ =	shalt  }
0x41: {  	_ =	shalt  }
0x42: {  	_ =	shalt  }
0x43: {  	_ =	shalt  }
0x44: {  	_ =	shalt  }
0x45: {  	_ =	shalt  }
0x46: {  	_ =	shalt  }
0x47: {  	_ =	shalt  }
0x48: {  	_ =	shalt  }
0x49: {  	_ =	shalt  }
0x4a: {  	_ =	shalt  }
0x4b: {  	_ =	shalt  }
0x4c: {  	_ =	shalt  }
0x4d: {  	_ =	shalt  }
0x4e: {  	_ =	shalt  }
0x4f: {  	_ =	shalt  }
0x50: {  	_ =	shalt  }
0x51: {  	_ =	shalt  }
0x52: {  	_ =	shalt  }
0x53: {  	_ =	shalt  }
0x54: {  	_ =	shalt  }
0x55: {  	_ =	shalt  }
0x56: {  	_ =	shalt  }
0x57: {  	_ =	shalt  }
0x58: {  	_ =	shalt  }
0x59: {  	_ =	shalt  }
0x5a: {  	_ =	shalt  }
0x5b: {  	_ =	shalt  }
0x5c: {  	_ =	shalt  }
0x5d: {  	_ =	shalt  }
0x5e: {  	_ =	shalt  }
0x5f: {  	_ =	shalt  }
0x60: {  	_ =	shalt  }
0x61: {  	_ =	shalt  }
0x62: {  	_ =	shalt  }
0x63: {  	_ =	shalt  }
0x64: {  	_ =	shalt  }
0x65: {  	_ =	shalt  }
0x66: {  	_ =	shalt  }
0x67: {  	_ =	shalt  }
0x68: {  	_ =	shalt  }
0x69: {  	_ =	shalt  }
0x6a: {  	_ =	shalt  }
0x6b: {  	_ =	shalt  }
0x6c: {  	_ =	shalt  }
0x6d: {  	_ =	shalt  }
0x6e: {  	_ =	shalt  }
0x6f: {  	_ =	shalt  }
0x70: {  	_ =	shalt  }
0x71: {  	_ =	shalt  }
0x72: {  	_ =	shalt  }
0x73: {  	_ =	shalt  }
0x74: {  	_ =	shalt  }
0x75: {  	_ =	shalt  }
0x76: {  	_ =	shalt  }
0x77: {  	_ =	shalt  }
0x78: {  	_ =	shalt  }
0x79: {  	_ =	shalt  }
0x7a: {  	_ =	shalt  }
0x7b: {  	_ =	shalt  }
0x7c: {  	_ =	shalt  }
0x7d: {  	_ =	shalt  }
0x7e: {  	_ =	shalt  }
0x7f: {  	_ =	shalt  }
0x80: {  	_ =	shalt  }
0x81: {  	_ =	shalt  }
0x82: {  	_ =	shalt  }
0x83: {  	_ =	shalt  }
0x84: {  	_ =	shalt  }
0x85: {  	_ =	shalt  }
0x86: {  	_ =	shalt  }
0x87: {  	_ =	shalt  }
.Lfunc_end0:
.L_simem_size_0:
called_computation.1_lowered:
.L_overlay_start_0:
0x88: {  	s2 =	sld [smem:$0x3FD9]  }
0x89: {  	s3 =	sld [smem:$0x3FFE];
	_ =	sdelay $0x1  }
0x8a: {  	s1 =	srdreg.scid  }
0x8b: {  	s0 =	sand.u32 $0x1, s1  }
0x8c: {  	s17 =	sshll.u32 s0, $0xA;
	s2 =	sadd.s32 s3, s2  }
0x8d: {  	s2 =	sadd.s32 s2, s17  }
0x8e: {  	[smem:$0x3FBE] =	sst s2  }
0x8f: {  	_ = 	snop  }
0x90: {  	s2 =	sld [smem:$0x3FD0];
	(tm) =	ssettm $0x1  }
0x91: {  	s18 =	sld [smem:$0x3FFB];
	_ =	sdelay $0x3  }
0x92: {  	_ =	strace s18  }
0x93: {  	s3 =	sld [smem:$0x3FFC];
	_ =	sdelay $0x3  }
0x94: {  	_ =	strace s3  }
0x95: {  	s3 =	sld [smem:$0x3FFD];
	_ =	sdelay $0x3  }
0x96: {  	_ =	strace s3  }
0x97: {  	_ =	strace $0x8FFFFFFF  }
0x98: {  	s19 =	sld [smem:$0x3FDB];
	_ =	sdelay $0x1  }
0x99: {  	s4 =	simm.s32 $_scs_section_size  }
0x9a: {  	s5 =	simm.s32 $_size__tile_overlayer_lowered;
	s6 =	simm.s32 $_tile_overlayer_lowered  }
0x9b: {  	s22 =	simm.s32 $0x1BFF;
	s21 =	sshll.u32 s6, $0x1;
	s3 =	sadd.s32 s4, s19  }
0x9c: {  	s7 =	simm.s32 $0x0;
	s20 =	sshll.u32 s5, $0x1;
	s5 =	sadd.s32 s21, s3  }
0x9d: {  	[timem:s7], [sflag:s22] =	dma.local [hbm:s5], s20  }
0x9e: {  	_ =	swait.ge [sflag:s22], s20  }
0x9f: {  	s4 =	ssub.s32 $0x0, s20;
	[sflag:s22] =	ssyncset.done $0x0  }
0xa0: {  	[sflag:s22] =	ssyncadd.s32 s4;
	_ =	sdelay $0x1  }
0xa1: {  	s23 =	simm.s32 $0x1B8B  }
0xa2: {  	_ =	swait.ge [sflag:s23], $0x1  }
0xa3: {  	[sflag:s23] =	ssyncset.done $0x0  }
0xa4: {  	s25 =	simm.s32 $0x1B8E;
	s24 =	sld [smem:$0x3FFE];
	[sflag:s23] =	ssyncadd.s32 $0xFFFFFFFF  }
0xa5: {  	s26 =	simm.s32 $execute0_lowered;
	[smem:$0x3FD2] =	sst s25  }
0xa6: {  	s5 =	sshll.u32 s26, $0x1;
	_ =	strace $0x80000049;
	[dreg:$0x1] =	wrdreg $0xFFFFFFFF  }
0xa7: {  	s28 =	simm.s32 $_size_execute0_lowered;
	s3 =	sadd.s32 s3, s5;
	[dreg:$0x0] =	wrdreg $0x0  }
0xa8: {  	s5 =	sshll.u32 s28, $0x1;
	[dreg:$0x2] =	wrdreg s3  }
0xa9: {  	[dreg:$0x3] =	wrdreg s5  }
0xaa: {  	[dreg:$0x4] =	wrdreg $0xC0  }
0xab: {  	_ =	task [dreg:s7], $0x5FFFF  }
0xac: {  	[dreg:$0x1] =	wrdreg $0xFFFFFFFF  }
0xad: {  	[dreg:$0x0] =	wrdreg $0x60  }
0xae: {  	[dreg:$0x2] =	wrdreg s2  }
0xaf: {  	[dreg:$0x3] =	wrdreg s24  }
0xb0: {  	[dreg:$0x4] =	wrdreg $0xB2200  }
0xb1: {  	[dreg:$0x5] =	wrdreg $0x9  }
0xb2: {  	_ =	task.clear_ibuf [dreg:s7], $0x6FFFF;
	_ =	strace $0x90000049  }
0xb3: {  	s29 =	simm.s32 $0x9;
	_ =	strace $0x8000004B  }
0xb4: {  	_ =	swait.ge [sflag:s29], $0x1  }
0xb5: {  	[sflag:s29] =	ssyncadd.s32 $0xFFFFFFFF  }
0xb6: {  	_ =	strace $0x9000004B  }
0xb7: {  	_ =	sfence  }
0xb8: {  	s30 =	sld [smem:$0x0];
	_ =	sdelay $0x2  }
0xb9: {  	s31 =	sshll.u32 s1, $0xD;
	s1 =	sshrl.u32 s1, $0x2  }
0xba: {  	s3 =	sand.u32 $0x4000, s31;
	s1 =	sadd.s32 s1, s30  }
0xbb: {  	s0 =	sor.u32 s3, s0;
	s1 =	sshll.u32 s1, $0x11  }
0xbc: {  	s0 =	sor.u32 s1, s0  }
0xbd: {  	s0 =	sadd.s32 $0x8F2B, s0  }
0xbe: {  	[sflag:s0] =	ssyncadd.remote.s32 $0x1  }
0xbf: {  	_ =	sfence.sel $0xFFFF  }
0xc0: {  	[dreg:$0x0] =	wrdreg $0xFFFFFFFF;
	(pc) =	sbr.abs _section_cstart, $3  }
0xc1: {  	[dreg:$0x1] =	wrdreg $0xFFFFFFFF  }
0xc2: {  	_ =	task.clear_ibuf [dreg:s7], $0x2FFFF;
	_ =	strace $0x9FFFFFFF  }
0xc3: {  	(tm) =	ssettm $0x7FFFFFFF  }
tec
execute0_lowered:
.L_overlay_start_1:
0x0: {  	(tag) =	ssettag $0x1  }
0x1: {  	s2 =	rddreg [dreg:$0x0]  }
0x2: {  	s0 =	srdreg.scid;
	s6 =	rddreg [dreg:$0x1]  }
0x3: {  	s10 =	stileid.u32;
	s3 =	rddreg [dreg:$0x2];
	s4 =	simm.s32 $0x0  }
0x4: {  	s12 =	simm.s32 $0x6;
	s14 =	simm.s32 $0x28;
	s15 =	simm.s32 $0x4E20  }
0x5: {  	s16 =	simm.s32 $0x6220;
	s18 =	simm.s32 $0x7620;
	s20 =	simm.s32 $0x8A20  }
0x6: {  	s22 =	simm.s32 $0x9E20;
	s23 =	simm.s32 $0x1;
	s28 =	simm.s32 $0x5  }
0x7: {  	s29 =	simm.s32 $0x4D58;
	s30 =	simm.s32 $0x4D80;
	s31 =	simm.s32 $0x4DA8  }
0x8: {  	s13 =	simm.s32 $0x0;
	s0 =	sand.u32 $0x1, s0;
	s7 =	smul.u32 $0x13880, s10  }
0x9: {  	[smem:$0x7FF] =	sst s4;
	s8 =	smul.u32 $0x4E200, s10;
	s26 =	sshll.u32 s10, $0x6  }
0xa: {  	s1 =	sshll.u32 s0, $0x4;
	s5 =	smul.u32 $0x138800, s0;
	s0 =	ssub.s32 $0x2, s0  }
0xb: {  	_ =	strace $0x8000004A;
	s1 =	sor.u32 s10, s1;
	s24 =	sshrl.u32 s0, $0x1  }
0xc: {  	s25 =	sshrl.u32 s8, $0x2;
	s1 =	smul.u32 $0x2710, s1;
	s5 =	sadd.s32 s7, s5  }
0xd: {  	s0 =	ssub.s32 s0, s24;
	s11 =	sadd.s32 s25, s3;
	s24 =	simm.s32 $0x2  }
0xe: {  	s25 =	simm.s32 $0x3;
	s7 =	sshrl.u32 s5, $0x3;
	s5 =	sadd.s32 $0x15E00, s6  }
0xf: {  	s10 =	smax.u32 s0, $0x1;
	s11 =	sshrl.u32 s11, $0x3;
	s1 =	sshrl.u32 s1, $0x3  }
0x10: {  	s0 =	simm.s32 $0x4DF8;
	s9 =	sadd.s32 s7, s6;
	s1 =	sadd.s32 s1, s6  }
0x11: {  	s6 =	sor.u32 $0x1C06, s26;
	s9 =	sadd.s32 $0x18600, s9;
	s26 =	simm.s32 $0x4  }
0x12: {  	s7 =	sadd.s32 $0x2400, s1;
	s8 =	sadd.s32 $0xC040, s1;
	s1 =	simm.s32 $0x4DD0  }
.LBB2_1:
0x13: {  	[spmem:s11], [sflag:s6] =	dma.local [hbm:s5], $0x2710  }
0x14: {  	_ =	swait.ge [sflag:s12], $0x2710  }
0x15: {  	[sflag:s12] =	ssyncset.done $0x0  }
0x16: {  	[sflag:s12] =	ssyncadd.s32 $0xFFFFD8F0  }
0x17: {  	[tilespmem:s4], [sflag:$0x6] =	stream.linear.gather [hbm4b:s7+s4], $0x2710, $0x38;
	[tilespmem:$0x1EAA0] =	vst v63  }
0x18: {  	_ =	swait.ge [sflag:s12], $0x2710  }
0x19: {  	[sflag:s12] =	ssyncset.done $0x0  }
0x1a: {  	s17 =	simm.s32 $0x2710;
	[sflag:s12] =	ssyncadd.s32 $0xFFFFD8F0  }
0x1b: {  	[tilespmem:s17], [sflag:$0x6] =	stream.linear.gather [hbm4b:s8+s4], $0x2710, $0x38;
	[tilespmem:$0x1EAA0] =	vst v63  }
0x1c: {  	_ =	swait.ge [sflag:s12], $0x2710  }
0x1d: {  	[sflag:s12] =	ssyncset.done $0x0  }
0x1e: {  	[sflag:s12] =	ssyncadd.s32 $0xFFFFD8F0  }
0x1f: {  	[bflag:$0x0] =	sbarrier.arrive $0xFFFF  }
0x20: {  	[tilespmem:s15], [sflag:$0x1] =	stream.indirect.gather [hbm4b:s2+s14], $0x80, s4, s14, $0xb8;
	[tilespmem:$0x1EAA0] =	vst v63  }
0x21: {  	_ = 	snop  }
0x22: {  	[tilespmem:s16], [sflag:$0x2] =	stream.indirect.gather [hbm4b:s2+s14], $0x80, s14, s14, $0xb8;
	[tilespmem:$0x1EAA0] =	vst v63  }
0x23: {  	s19 =	simm.s32 $0x50  }
0x24: {  	[tilespmem:s18], [sflag:$0x3] =	stream.indirect.gather [hbm4b:s2+s14], $0x80, s19, s14, $0xb8;
	[tilespmem:$0x1EAA0] =	vst v63  }
0x25: {  	s21 =	simm.s32 $0x78  }
0x26: {  	[tilespmem:s20], [sflag:$0x4] =	stream.indirect.gather [hbm4b:s2+s14], $0x80, s21, s14, $0xb8;
	[tilespmem:$0x1EAA0] =	vst v63  }
0x27: {  	s19 =	simm.s32 $0xA0  }
0x28: {  	[tilespmem:s22], [sflag:$0x5] =	stream.indirect.gather [hbm4b:s2+s14], $0x80, s19, s14, $0xb8;
	[tilespmem:$0x1EAA0] =	vst v63  }
0x29: {  	_ =	swait.ge [sflag:s23], $0x1400  }
0x2a: {  	[sflag:s23] =	ssyncset.done $0x0  }
0x2b: {  	s21 =	simm.s32 $0x2710;
	[sflag:s23] =	ssyncadd.s32 $0xFFFFEC00  }
0x2c: {  	[spmem:s3] =	stream.indirect.scatter.add.f32 [tilespmem:s15], [sflag:$0x6], $0x80, s21, s14, $0xb8;
	[tilespmem:$0x1EAA0] =	vst v63  }
0x2d: {  	_ =	swait.ge [sflag:s12], $0x1400  }
0x2e: {  	[sflag:s12] =	ssyncset.done $0x0  }
0x2f: {  	s19 =	simm.s32 $0xC8;
	[sflag:s12] =	ssyncadd.s32 $0xFFFFEC00  }
0x30: {  	[tilespmem:s15], [sflag:$0x1] =	stream.indirect.gather [hbm4b:s2+s14], $0x80, s19, s14, $0xb8;
	[tilespmem:$0x1EAA0] =	vst v63  }
0x31: {  	_ =	swait.ge [sflag:s24], $0x1400  }
0x32: {  	[sflag:s24] =	ssyncset.done $0x0  }
0x33: {  	s21 =	simm.s32 $0x2738;
	[sflag:s24] =	ssyncadd.s32 $0xFFFFEC00  }
0x34: {  	[spmem:s3] =	stream.indirect.scatter.add.f32 [tilespmem:s16], [sflag:$0x6], $0x80, s21, s14, $0xb8;
	[tilespmem:$0x1EAA0] =	vst v63  }
0x35: {  	_ =	swait.ge [sflag:s12], $0x1400  }
0x36: {  	[sflag:s12] =	ssyncset.done $0x0  }
0x37: {  	s19 =	simm.s32 $0xF0;
	[sflag:s12] =	ssyncadd.s32 $0xFFFFEC00  }
0x38: {  	[tilespmem:s16], [sflag:$0x2] =	stream.indirect.gather [hbm4b:s2+s14], $0x80, s19, s14, $0xb8;
	[tilespmem:$0x1EAA0] =	vst v63  }
0x39: {  	_ =	swait.ge [sflag:s25], $0x1400  }
0x3a: {  	[sflag:s25] =	ssyncset.done $0x0  }
0x3b: {  	s21 =	simm.s32 $0x2760;
	[sflag:s25] =	ssyncadd.s32 $0xFFFFEC00  }
0x3c: {  	[spmem:s3] =	stream.indirect.scatter.add.f32 [tilespmem:s18], [sflag:$0x6], $0x80, s21, s14, $0xb8;
	[tilespmem:$0x1EAA0] =	vst v63  }
0x3d: {  	_ =	swait.ge [sflag:s12], $0x1400  }
0x3e: {  	[sflag:s12] =	ssyncset.done $0x0  }
0x3f: {  	s19 =	simm.s32 $0x118;
	[sflag:s12] =	ssyncadd.s32 $0xFFFFEC00  }
0x40: {  	[tilespmem:s18], [sflag:$0x3] =	stream.indirect.gather [hbm4b:s2+s14], $0x80, s19, s14, $0xb8;
	[tilespmem:$0x1EAA0] =	vst v63  }
0x41: {  	_ =	swait.ge [sflag:s26], $0x1400  }
0x42: {  	[sflag:s26] =	ssyncset.done $0x0  }
0x43: {  	s21 =	simm.s32 $0x2788;
	[sflag:s26] =	ssyncadd.s32 $0xFFFFEC00  }
0x44: {  	[spmem:s3] =	stream.indirect.scatter.add.f32 [tilespmem:s20], [sflag:$0x6], $0x80, s21, s14, $0xb8;
	[tilespmem:$0x1EAA0] =	vst v63  }
0x45: {  	_ =	swait.ge [sflag:s12], $0x1400  }
0x46: {  	[sflag:s12] =	ssyncset.done $0x0  }
0x47: {  	s19 =	simm.s32 $0x140;
	[sflag:s12] =	ssyncadd.s32 $0xFFFFEC00  }
0x48: {  	[tilespmem:s20], [sflag:$0x4] =	stream.indirect.gather [hbm4b:s2+s14], $0x80, s19, s14, $0xb8;
	[tilespmem:$0x1EAA0] =	vst v63  }
0x49: {  	_ =	swait.ge [sflag:s28], $0x1400  }
0x4a: {  	[sflag:s28] =	ssyncset.done $0x0  }
0x4b: {  	s21 =	simm.s32 $0x27B0;
	[sflag:s28] =	ssyncadd.s32 $0xFFFFEC00  }
0x4c: {  	[spmem:s3] =	stream.indirect.scatter.add.f32 [tilespmem:s22], [sflag:$0x6], $0x80, s21, s14, $0xb8;
	[tilespmem:$0x1EAA0] =	vst v63  }
0x4d: {  	_ =	swait.ge [sflag:s12], $0x1400  }
0x4e: {  	[sflag:s12] =	ssyncset.done $0x0  }
0x4f: {  	s17 =	simm.s32 $0x320;
	s19 =	simm.s32 $0x168;
	[sflag:s12] =	ssyncadd.s32 $0xFFFFEC00  }
.LBB2_2:
0x50: {  	[tilespmem:s22], [sflag:$0x5] =	stream.indirect.gather [hbm4b:s2+s14], $0x80, s19, s14, $0xb8;
	[tilespmem:$0x1EAA0] =	vst v63  }
0x51: {  	s19 =	smov.u32 s17  }
0x52: {  	p0 =	sne.s32 s17, $0x9600;
	s17 =	sadd.s32 $0x320, s17;
	_ =	swait.ge [sflag:s23], $0x1400  }
0x53: {  	s19 =	sshra.s32 s19, $0x2;
	[sflag:s23] =	ssyncset.done $0x0  }
0x54: {  	s21 =	sadd.s32 $0x2710, s19;
	[sflag:s23] =	ssyncadd.s32 $0xFFFFEC00  }
0x55: {  	[spmem:s3] =	stream.indirect.scatter.add.f32 [tilespmem:s15], [sflag:$0x6], $0x80, s21, s14, $0xb8;
	[tilespmem:$0x1EAA0] =	vst v63  }
0x56: {  	_ =	swait.ge [sflag:s12], $0x1400  }
0x57: {  	[sflag:s12] =	ssyncset.done $0x0  }
0x58: {  	s21 =	sadd.s32 $0xC8, s19;
	[sflag:s12] =	ssyncadd.s32 $0xFFFFEC00  }
0x59: {  	[tilespmem:s15], [sflag:$0x1] =	stream.indirect.gather [hbm4b:s2+s14], $0x80, s21, s14, $0xb8;
	[tilespmem:$0x1EAA0] =	vst v63  }
0x5a: {  	_ =	swait.ge [sflag:s24], $0x1400  }
0x5b: {  	[sflag:s24] =	ssyncset.done $0x0  }
0x5c: {  	s21 =	sadd.s32 $0x2738, s19;
	[sflag:s24] =	ssyncadd.s32 $0xFFFFEC00  }
0x5d: {  	[spmem:s3] =	stream.indirect.scatter.add.f32 [tilespmem:s16], [sflag:$0x6], $0x80, s21, s14, $0xb8;
	[tilespmem:$0x1EAA0] =	vst v63  }
0x5e: {  	_ =	swait.ge [sflag:s12], $0x1400  }
0x5f: {  	[sflag:s12] =	ssyncset.done $0x0  }
0x60: {  	s21 =	sadd.s32 $0xF0, s19;
	[sflag:s12] =	ssyncadd.s32 $0xFFFFEC00  }
0x61: {  	[tilespmem:s16], [sflag:$0x2] =	stream.indirect.gather [hbm4b:s2+s14], $0x80, s21, s14, $0xb8;
	[tilespmem:$0x1EAA0] =	vst v63  }
0x62: {  	_ =	swait.ge [sflag:s25], $0x1400  }
0x63: {  	[sflag:s25] =	ssyncset.done $0x0  }
0x64: {  	s21 =	sadd.s32 $0x2760, s19;
	[sflag:s25] =	ssyncadd.s32 $0xFFFFEC00  }
0x65: {  	[spmem:s3] =	stream.indirect.scatter.add.f32 [tilespmem:s18], [sflag:$0x6], $0x80, s21, s14, $0xb8;
	[tilespmem:$0x1EAA0] =	vst v63  }
0x66: {  	_ =	swait.ge [sflag:s12], $0x1400  }
0x67: {  	[sflag:s12] =	ssyncset.done $0x0  }
0x68: {  	s21 =	sadd.s32 $0x118, s19;
	[sflag:s12] =	ssyncadd.s32 $0xFFFFEC00  }
0x69: {  	[tilespmem:s18], [sflag:$0x3] =	stream.indirect.gather [hbm4b:s2+s14], $0x80, s21, s14, $0xb8;
	[tilespmem:$0x1EAA0] =	vst v63  }
0x6a: {  	_ =	swait.ge [sflag:s26], $0x1400  }
0x6b: {  	[sflag:s26] =	ssyncset.done $0x0  }
0x6c: {  	s21 =	sadd.s32 $0x2788, s19;
	[sflag:s26] =	ssyncadd.s32 $0xFFFFEC00  }
0x6d: {  	[spmem:s3] =	stream.indirect.scatter.add.f32 [tilespmem:s20], [sflag:$0x6], $0x80, s21, s14, $0xb8;
	[tilespmem:$0x1EAA0] =	vst v63  }
0x6e: {  	_ =	swait.ge [sflag:s12], $0x1400  }
0x6f: {  	[sflag:s12] =	ssyncset.done $0x0  }
0x70: {  	s21 =	sadd.s32 $0x140, s19;
	[sflag:s12] =	ssyncadd.s32 $0xFFFFEC00  }
0x71: {  	[tilespmem:s20], [sflag:$0x4] =	stream.indirect.gather [hbm4b:s2+s14], $0x80, s21, s14, $0xb8;
	[tilespmem:$0x1EAA0] =	vst v63  }
0x72: {  	_ =	swait.ge [sflag:s28], $0x1400  }
0x73: {  	[sflag:s28] =	ssyncset.done $0x0  }
.Ltmp0:
0x74: {  	s21 =	sadd.s32 $0x27B0, s19;
	[sflag:s28] =	ssyncadd.s32 $0xFFFFEC00;
	(pc) =	sbr.rel @p0 .LBB2_2-.Ltmp0, $4  }
0x75: {  	[spmem:s3] =	stream.indirect.scatter.add.f32 [tilespmem:s22], [sflag:$0x6], $0x80, s21, s14, $0xb8;
	[tilespmem:$0x1EAA0] =	vst v63  }
0x76: {  	_ =	swait.ge [sflag:s12], $0x1400  }
0x77: {  	[sflag:s12] =	ssyncset.done $0x0  }
0x78: {  	s19 =	sadd.s32 $0x168, s19;
	[sflag:s12] =	ssyncadd.s32 $0xFFFFEC00  }
0x79: {  	[tilespmem:s22], [sflag:$0x5] =	stream.indirect.gather [hbm4b:s2+s14], $0x80, s19, s14, $0xb8;
	[tilespmem:$0x1EAA0] =	vst v63  }
0x7a: {  	_ =	swait.ge [sflag:s23], $0x1400  }
0x7b: {  	[sflag:s23] =	ssyncset.done $0x0  }
0x7c: {  	[sflag:s23] =	ssyncadd.s32 $0xFFFFEC00  }
0x7d: {  	[spmem:s3] =	stream.indirect.scatter.add.f32 [tilespmem:s15], [sflag:$0x6], $0x80, s29, s14, $0xb8;
	[tilespmem:$0x1EAA0] =	vst v63  }
0x7e: {  	_ =	swait.ge [sflag:s12], $0x1400  }
0x7f: {  	[sflag:s12] =	ssyncset.done $0x0  }
0x80: {  	[sflag:s12] =	ssyncadd.s32 $0xFFFFEC00  }
0x81: {  	_ =	swait.ge [sflag:s24], $0x1400  }
0x82: {  	[sflag:s24] =	ssyncset.done $0x0  }
0x83: {  	[sflag:s24] =	ssyncadd.s32 $0xFFFFEC00  }
0x84: {  	[spmem:s3] =	stream.indirect.scatter.add.f32 [tilespmem:s16], [sflag:$0x6], $0x80, s30, s14, $0xb8;
	[tilespmem:$0x1EAA0] =	vst v63  }
0x85: {  	_ =	swait.ge [sflag:s12], $0x1400  }
0x86: {  	[sflag:s12] =	ssyncset.done $0x0  }
0x87: {  	[sflag:s12] =	ssyncadd.s32 $0xFFFFEC00  }
0x88: {  	_ =	swait.ge [sflag:s25], $0x1400  }
0x89: {  	[sflag:s25] =	ssyncset.done $0x0  }
0x8a: {  	[sflag:s25] =	ssyncadd.s32 $0xFFFFEC00  }
0x8b: {  	[spmem:s3] =	stream.indirect.scatter.add.f32 [tilespmem:s18], [sflag:$0x6], $0x80, s31, s14, $0xb8;
	[tilespmem:$0x1EAA0] =	vst v63  }
0x8c: {  	_ =	swait.ge [sflag:s12], $0x1400  }
0x8d: {  	[sflag:s12] =	ssyncset.done $0x0  }
0x8e: {  	[sflag:s12] =	ssyncadd.s32 $0xFFFFEC00  }
0x8f: {  	_ =	swait.ge [sflag:s26], $0x1400  }
0x90: {  	[sflag:s26] =	ssyncset.done $0x0  }
0x91: {  	[sflag:s26] =	ssyncadd.s32 $0xFFFFEC00  }
0x92: {  	[spmem:s3] =	stream.indirect.scatter.add.f32 [tilespmem:s20], [sflag:$0x6], $0x80, s1, s14, $0xb8;
	[tilespmem:$0x1EAA0] =	vst v63  }
0x93: {  	_ =	swait.ge [sflag:s12], $0x1400  }
0x94: {  	[sflag:s12] =	ssyncset.done $0x0  }
0x95: {  	[sflag:s12] =	ssyncadd.s32 $0xFFFFEC00  }
0x96: {  	_ =	swait.ge [sflag:s28], $0x1400  }
0x97: {  	[sflag:s28] =	ssyncset.done $0x0  }
0x98: {  	[sflag:s28] =	ssyncadd.s32 $0xFFFFEC00  }
0x99: {  	[spmem:s3] =	stream.indirect.scatter.add.f32 [tilespmem:s22], [sflag:$0x6], $0x80, s0, s14, $0xb8;
	[tilespmem:$0x1EAA0] =	vst v63  }
0x9a: {  	_ =	swait.ge [sflag:s12], $0x1400  }
0x9b: {  	s13 =	sadd.s32 $0x1, s13;
	[sflag:s12] =	ssyncset.done $0x0  }
0x9c: {  	p0 =	sne.s32 s13, s10;
	[sflag:s12] =	ssyncadd.s32 $0xFFFFEC00  }
.Ltmp1:
0x9d: {  	[bflag:$0x0] =	sbarrier.arrive $0xFFFF;
	(pc) =	sbr.rel @p0 .LBB2_1-.Ltmp1, $4  }
0x9e: {  	[hbm:s9], [sflag:s6] =	dma.local [spmem:s11], $0x2710  }
0x9f: {  	_ =	swait.ge [sflag:s12], $0x2710  }
0xa0: {  	[sflag:s12] =	ssyncset.done $0x0  }
0xa1: {  	[sflag:s12] =	ssyncadd.s32 $0xFFFFD8F0  }
0xa2: {  	_ =	sfence.sel $0x180000  }
0xa3: {  	[bflag:$0x0] =	sbarrier.arrive $0xFFFF  }
0xa4: {  	_ =	strace $0x9000004A  }
0xa5: {  	s0 =	stileid.u32;
	[bflag:$0x2] =	sbarrier.arrive $0xFFFF  }
0xa6: {  	p0 =	sne.s32 s0, $0x0;
	s0 =	rddreg [dreg:$0x3]  }
0xa7: {  	s0 =	sadd.s32 @!p0 $0x100000, s0  }
0xa8: {  	[sflag:s0] =	ssyncadd.tile.s32 @!p0 $0x1;
	_ =	shalt  }
.Lfunc_end2:
_tile_overlayer_lowered:
.L_overlay_start_2:
0xa9: {  	(tag) =	ssettag $0x2  }
0xaa: {  	s0 =	rddreg [dreg:$0x0];
	s2 =	stileid.u32  }
0xab: {  	s1 =	rddreg [dreg:$0x1];
	p0 =	sne.s32 s2, $0x0  }
0xac: {  	s3 =	rddreg [dreg:$0x2];
	[bflag:$0x3] =	sbarrier.arrive $0xFFFF;
	s2 =	simm.s32 @!p0 $0x1C06  }
0xad: {  	[timem:s3], [sflag:s2] =	dma.local @!p0 [hbm:s0], s1  }
0xae: {  	s0 =	simm.s32 @!p0 $0x6  }
0xaf: {  	_ =	swait.ge @!p0 [sflag:s0], s1  }
0xb0: {  	s1 =	ssub.s32 @!p0 $0x0, s1;
	[sflag:s0] =	ssyncset.done @!p0 $0x0  }
0xb1: {  	[sflag:s0] =	ssyncadd.s32 @!p0 s1  }
0xb2: {  	[bflag:$0x3] =	sbarrier.arrive $0xFFFF  }
0xb3: {  	_ =	shalt  }

</sc_bundles>
